<compile_context>
chip_gen: v7x
topology: tpu7x:2x2x1
jax: 0.10.2.dev20260603
libtpu: 0.0.44.dev20260713+nightly
codegen_flags: <defaults>
</compile_context>

<pallas_src>
import functools

import jax
import jax.numpy as jnp
from jax import lax
from jax.experimental import pallas as pl
from jax.experimental.pallas import tpu as pltpu
from jax.experimental.pallas import tpu_sc as plsc

N = 10000
E = 320000
D = 128
H = 128
O = 64
G = 16

NC = 2
NS = 16
NW = NC * NS
CH = 128
NCH = 79
NCH0 = 121
NCH1 = 37
EPAD = NW * NCH * CH
NPAD = N + 112
RPS = NPAD // NS
HN = NCH // 2

_MESH = plsc.VectorSubcoreMesh(core_axis_name="c", subcore_axis_name="s")



def _deg_body(dst_hbm, ones_hbm, zeros_hbm, out_hbm, dst_v, ones_v, acc_sh):
    c = lax.axis_index("c")
    s = lax.axis_index("s")
    w = c * NS + s
    pltpu.sync_copy(zeros_hbm.at[pl.ds(s * RPS, RPS)], acc_sh.at[pl.ds(s * RPS, RPS)])
    pltpu.sync_copy(dst_hbm.at[w], dst_v)
    pltpu.sync_copy(ones_hbm, ones_v)
    plsc.subcore_barrier()

    @pl.loop(0, NCH)
    def _(j):
        pltpu.sync_copy(ones_v, acc_sh.at[dst_v.at[j]], add=True)

    plsc.subcore_barrier()
    pltpu.sync_copy(acc_sh.at[pl.ds(s * RPS, RPS)], out_hbm.at[c, pl.ds(s * RPS, RPS)])


def _sc_degree(dst3, ones128, zeros128):
    kern = pl.kernel(
        _deg_body,
        out_type=jax.ShapeDtypeStruct((NC, NPAD, D), jnp.float32),
        mesh=_MESH,
        scratch_types=[
            pltpu.VMEM((NCH, CH), jnp.int32),
            pltpu.VMEM((CH, D), jnp.float32),
            pltpu.VMEM_SHARED((NPAD, D), jnp.float32),
        ],
    )
    return kern(dst3, ones128, zeros128)


def _agg_body(src_hbm, dst_hbm, h_hbm, zeros_hbm, out_hbm,
              src_v, dst_v, rows_v, acc_sh):
    c = lax.axis_index("c")
    s = lax.axis_index("s")
    w = c * NS + s
    pltpu.sync_copy(zeros_hbm.at[pl.ds(s * RPS, RPS)], acc_sh.at[pl.ds(s * RPS, RPS)])
    pltpu.sync_copy(src_hbm.at[w], src_v)
    pltpu.sync_copy(dst_hbm.at[w], dst_v)
    plsc.subcore_barrier()

    @pl.when(c == 0)
    def _():
        @pl.loop(0, NCH0)
        def _(j):
            pltpu.sync_copy(h_hbm.at[src_v.at[j]], rows_v)
            pltpu.sync_copy(rows_v, acc_sh.at[dst_v.at[j]], add=True)

    @pl.when(c == 1)
    def _():
        @pl.loop(0, NCH1)
        def _(j):
            pltpu.sync_copy(h_hbm.at[src_v.at[j]], rows_v)
            pltpu.sync_copy(rows_v, acc_sh.at[dst_v.at[j]], add=True)

    plsc.subcore_barrier()
    pltpu.sync_copy(acc_sh.at[pl.ds(s * RPS, RPS)], out_hbm.at[c, pl.ds(s * RPS, RPS)])


def _sc_aggregate(src3, dst3, h, zeros128):
    kern = pl.kernel(
        _agg_body,
        out_type=jax.ShapeDtypeStruct((NC, NPAD, D), jnp.float32),
        mesh=_MESH,
        scratch_types=[
            pltpu.VMEM((NCH0, CH), jnp.int32),
            pltpu.VMEM((NCH0, CH), jnp.int32),
            pltpu.VMEM((CH, D), jnp.float32),
            pltpu.VMEM_SHARED((NPAD, D), jnp.float32),
        ],
    )
    return kern(src3, dst3, h, zeros128)



_BLK = 2528


def _mm_body(x_ref, w_ref, o_ref):
    o_ref[...] = jnp.dot(x_ref[...], w_ref[...], preferred_element_type=jnp.float32)


def _tc_matmul(x, w):
    return pl.pallas_call(
        _mm_body,
        grid=(NPAD // _BLK,),
        in_specs=[
            pl.BlockSpec((_BLK, D), lambda i: (i, 0)),
            pl.BlockSpec((D, H), lambda i: (0, 0)),
        ],
        out_specs=pl.BlockSpec((_BLK, H), lambda i: (i, 0)),
        out_shape=jax.ShapeDtypeStruct((NPAD, H), jnp.float32),
    )(x, w)


def _prep_body(deg2_ref, h1_ref, dinv_ref, h1p_ref):
    deg = deg2_ref[0][:, :16] + deg2_ref[1][:, :16] + 1.0
    dinv = lax.rsqrt(deg)
    dinv_ref[...] = dinv
    h1p_ref[...] = dinv[:, :1] * h1_ref[...]


def _tc_prep(deg2, h1):
    return pl.pallas_call(
        _prep_body,
        out_shape=(
            jax.ShapeDtypeStruct((NPAD, 16), jnp.float32),
            jax.ShapeDtypeStruct((NPAD, H), jnp.float32),
        ),
    )(deg2, h1)


def _mid_body(part_ref, h1_ref, dinv_ref, w2_ref, b1_ref, h2_ref, h2p_ref):
    dinv = dinv_ref[...][:, :1]
    agg = part_ref[0] + part_ref[1]
    z1 = jnp.maximum(dinv * agg + dinv * dinv * h1_ref[...] + b1_ref[...], 0.0)
    h2 = jnp.dot(z1, w2_ref[...], preferred_element_type=jnp.float32)
    h2_ref[...] = h2
    h2p_ref[...] = dinv * h2


def _tc_mid(part1, h1, dinv16, w2, b1):
    return pl.pallas_call(
        _mid_body,
        grid=(NPAD // _BLK,),
        in_specs=[
            pl.BlockSpec((NC, _BLK, H), lambda i: (0, i, 0)),
            pl.BlockSpec((_BLK, H), lambda i: (i, 0)),
            pl.BlockSpec((_BLK, 16), lambda i: (i, 0)),
            pl.BlockSpec((H, H), lambda i: (0, 0)),
            pl.BlockSpec((1, H), lambda i: (0, 0)),
        ],
        out_specs=(
            pl.BlockSpec((_BLK, H), lambda i: (i, 0)),
            pl.BlockSpec((_BLK, H), lambda i: (i, 0)),
        ),
        out_shape=(
            jax.ShapeDtypeStruct((NPAD, H), jnp.float32),
            jax.ShapeDtypeStruct((NPAD, H), jnp.float32),
        ),
    )(part1, h1, dinv16, w2, b1)


def _final_body(part_ref, h2_ref, dinv_ref, b2_ref, batch_ref, wfc_ref, bfc_ref,
                out_ref, acc_ref, cnt_ref):
    i = pl.program_id(0)

    @pl.when(i == 0)
    def _():
        acc_ref[...] = jnp.zeros_like(acc_ref)
        cnt_ref[...] = jnp.zeros_like(cnt_ref)

    dinv = dinv_ref[...][:, :1]
    z2 = dinv * (part_ref[0] + part_ref[1]) + dinv * dinv * h2_ref[...] + b2_ref[...]
    onehot = (batch_ref[...] == lax.broadcasted_iota(jnp.int32, (1, G), 1)
              ).astype(jnp.float32)
    acc_ref[...] += lax.dot_general(onehot, z2, (((0,), (0,)), ((), ())),
                                    preferred_element_type=jnp.float32)
    cnt_ref[...] += lax.dot_general(onehot, jnp.ones_like(z2),
                                    (((0,), (0,)), ((), ())),
                                    preferred_element_type=jnp.float32)

    @pl.when(i == pl.num_programs(0) - 1)
    def _():
        pooled = acc_ref[...] / jnp.maximum(cnt_ref[...], 1.0)
        out_ref[...] = jnp.dot(pooled, wfc_ref[...],
                               preferred_element_type=jnp.float32) + bfc_ref[...]


def _tc_final(part2, h2, dinv16, b2, batch2d, wfc, bfc):
    return pl.pallas_call(
        _final_body,
        grid=(NPAD // _BLK,),
        in_specs=[
            pl.BlockSpec((NC, _BLK, H), lambda i: (0, i, 0)),
            pl.BlockSpec((_BLK, H), lambda i: (i, 0)),
            pl.BlockSpec((_BLK, 16), lambda i: (i, 0)),
            pl.BlockSpec((1, H), lambda i: (0, 0)),
            pl.BlockSpec((_BLK, 1), lambda i: (i, 0)),
            pl.BlockSpec((H, O), lambda i: (0, 0)),
            pl.BlockSpec((1, O), lambda i: (0, 0)),
        ],
        out_specs=pl.BlockSpec((G, O), lambda i: (0, 0)),
        out_shape=jax.ShapeDtypeStruct((G, O), jnp.float32),
        scratch_shapes=[
            pltpu.VMEM((G, H), jnp.float32),
            pltpu.VMEM((G, H), jnp.float32),
        ],
    )(part2, h2, dinv16, b2, batch2d, wfc, bfc)



def kernel(x, edge_index, batch, W1, b1, W2, b2, Wfc, bfc):
    src = edge_index[0]
    dst = edge_index[1]
    pad = EPAD - E
    src_f = jnp.concatenate([src, jnp.zeros((pad,), jnp.int32)])
    dst_f = jnp.concatenate(
        [dst, N + (jnp.arange(pad, dtype=jnp.int32) % (NPAD - N))])
    dst3 = dst_f.reshape(NW, NCH, CH)

    def agg_layout(flat):
        c0 = flat[: NS * NCH0 * CH].reshape(NS, NCH0, CH)
        c1 = flat[NS * NCH0 * CH :].reshape(NS, NCH1, CH)
        c1 = jnp.pad(c1, ((0, 0), (0, NCH0 - NCH1), (0, 0)))
        return jnp.concatenate([c0, c1], axis=0)

    src3a = agg_layout(src_f)
    dst3a = agg_layout(dst_f)

    x_pad = jnp.pad(x, ((0, NPAD - N), (0, 0)))
    batch2d = jnp.pad(batch, (0, NPAD - N), constant_values=G).reshape(NPAD, 1)
    ones128 = jnp.ones((CH, D), jnp.float32)
    zeros128 = jnp.zeros((NPAD, D), jnp.float32)
    b1r = b1.reshape(1, H)
    b2r = b2.reshape(1, H)
    bfcr = bfc.reshape(1, O)

    deg2 = _sc_degree(dst3, ones128, zeros128)
    h1 = _tc_matmul(x_pad, W1)
    dinv16, h1p = _tc_prep(deg2, h1)
    part1 = _sc_aggregate(src3a, dst3a, h1p, zeros128)
    h2, h2p = _tc_mid(part1, h1, dinv16, W2, b1r)
    part2 = _sc_aggregate(src3a, dst3a, h2p, zeros128)
    return _tc_final(part2, h2, dinv16, b2r, batch2d, Wfc, bfcr)

# --- scband reference (transcript-rebuilt; emitter-appended) ---
"""Pipeline reference for scband-gcn-20882130993434 (READ-ONLY COPY).

The authoritative reference and input builder live on the scoring server;
editing this copy changes nothing except your own understanding.
"""

import jax, jax.numpy as jnp
import numpy as np

N = 10000
E = 320000
D = 128
H = 128
O = 64
G = 16


def setup_inputs(seed: int = 0) -> dict:
    key = jax.random.key(seed)
    ks = jax.random.split(key, 10)
    x = jax.random.normal(ks[0], (N, D), dtype=jnp.float32)
    edge_index = jax.random.randint(ks[1], (2, E), 0, N, dtype=jnp.int32)
    batch = jnp.sort(jax.random.randint(ks[2], (N,), 0, G, dtype=jnp.int32))
    W1 = jax.random.normal(ks[3], (D, H), dtype=jnp.float32) * (1.0 / np.sqrt(D))
    b1 = jnp.zeros((H,), dtype=jnp.float32)
    W2 = jax.random.normal(ks[4], (H, H), dtype=jnp.float32) * (1.0 / np.sqrt(H))
    b2 = jnp.zeros((H,), dtype=jnp.float32)
    Wfc = jax.random.normal(ks[5], (H, O), dtype=jnp.float32) * (1.0 / np.sqrt(H))
    bfc = jnp.zeros((O,), dtype=jnp.float32)
    return {"x": x, "edge_index": edge_index, "batch": batch,
            "W1": W1, "b1": b1, "W2": W2, "b2": b2, "Wfc": Wfc, "bfc": bfc}


def gcn_conv(x, edge_index, W, b):
    # GCNConv: x' = D^{-1/2} (A + I) D^{-1/2} (x W) + b
    n = x.shape[0]
    src = edge_index[0]
    dst = edge_index[1]
    loop = jnp.arange(n, dtype=src.dtype)
    src = jnp.concatenate([src, loop])
    dst = jnp.concatenate([dst, loop])
    h = x @ W
    ones = jnp.ones(dst.shape[0], dtype=h.dtype)
    deg = jax.ops.segment_sum(ones, dst, num_segments=n)
    dinv = jnp.where(deg > 0, 1.0 / jnp.sqrt(deg), 0.0)
    norm = dinv[src] * dinv[dst]
    msg = h[src] * norm[:, None]
    out = jax.ops.segment_sum(msg, dst, num_segments=n)
    return out + b


def global_mean_pool(x, batch, num_graphs):
    s = jax.ops.segment_sum(x, batch, num_segments=num_graphs)
    cnt = jax.ops.segment_sum(jnp.ones((x.shape[0], 1), x.dtype), batch, num_segments=num_graphs)
    return s / jnp.clip(cnt, 1.0)


def reference(x, edge_index, batch, W1, b1, W2, b2, Wfc, bfc):
    h = gcn_conv(x, edge_index, W1, b1)
    h = jax.nn.relu(h)
    # dropout: identity in eval mode
    h = gcn_conv(h, edge_index, W2, b2)
    pooled = global_mean_pool(h, batch, G)
    return pooled @ Wfc + bfc

if __name__ == "__main__":
    import jax
    _d = setup_inputs()
    print(jax.jit(kernel)(*tuple(_d.values())))

</pallas_src>

<mosaic_0001>
#map = affine_map<(d0, d1) -> (0, 0, 0)>
#map1 = affine_map<(d0, d1) -> (0, 0)>
module attributes {stable_mosaic.version = 14 : i64} {
  func.func @_agg_body(%arg0: i32, %arg1: i32, %arg2: memref<32x121x128xi32, #tpu.memory_space<hbm>>, %arg3: memref<32x121x128xi32, #tpu.memory_space<hbm>>, %arg4: memref<10112x128xf32, #tpu.memory_space<hbm>>, %arg5: memref<10112x128xf32, #tpu.memory_space<hbm>>, %arg6: memref<2x10112x128xf32, #tpu.memory_space<hbm>>, %arg7: memref<121x128xi32, #tpu.memory_space<vmem>>, %arg8: memref<121x128xi32, #tpu.memory_space<vmem>>, %arg9: memref<128x128xf32, #tpu.memory_space<vmem>>, %arg10: memref<10112x128xf32, #tpu.memory_space<vmem_shared>>) attributes {dimension_semantics = [#tpu.dimension_semantics<core_parallel>, #tpu.dimension_semantics<subcore_parallel>], iteration_bounds = array<i64: 2, 16>, scalar_prefetch = 0 : i64, scratch_operands = 4 : i64, tpu.core_type = #tpu.core_type<sc_vector_subcore>, window_params = [{transform_indices = #map}, {transform_indices = #map}, {transform_indices = #map1}, {transform_indices = #map1}, {transform_indices = #map}]} {
    %mul3A = arith.constant 16 : i32
    %mul3A_0 = arith.muli %arg0, %mul3A : i32
    %add3A = arith.addi %mul3A_0, %arg1 : i32
    %mul3A_1 = arith.constant 632 : i32
    %mul3A_2 = arith.muli %arg1, %mul3A_1 : i32
    %mul3A_3 = arith.constant 632 : i32
    %mul3A_4 = arith.muli %arg1, %mul3A_3 : i32
    "tpu.region"() ({
      %run_scoped3A = tpu.sem_alloc : memref<!tpu.dma_semaphore, #tpu.memory_space<semaphore_mem>>
      %dma_start3A = arith.constant 0 : i32
      %dma_start3A_17 = tpu.memref_slice %arg10[%mul3A_4, %dma_start3A] : memref<10112x128xf32, #tpu.memory_space<vmem_shared>> -> memref<632x128xf32, #tpu.memory_space<vmem_shared>>
      %dma_start3A_18 = arith.constant 0 : i32
      %dma_start3A_19 = tpu.memref_slice %arg5[%mul3A_2, %dma_start3A_18] : memref<10112x128xf32, #tpu.memory_space<hbm>> -> memref<632x128xf32, #tpu.memory_space<hbm>>
      tpu.enqueue_dma source(%dma_start3A_19 : memref<632x128xf32, #tpu.memory_space<hbm>>) target(%dma_start3A_17 : memref<632x128xf32, #tpu.memory_space<vmem_shared>>) target_semaphore(%run_scoped3A : memref<!tpu.dma_semaphore, #tpu.memory_space<semaphore_mem>>)
      %dma_wait3A = arith.constant 0 : i32
      %dma_wait3A_20 = tpu.memref_slice %arg10[%mul3A_4, %dma_wait3A] : memref<10112x128xf32, #tpu.memory_space<vmem_shared>> -> memref<632x128xf32, #tpu.memory_space<vmem_shared>>
      %dma_wait3A_21 = arith.constant 0 : i32
      %dma_wait3A_22 = tpu.memref_slice %arg5[%mul3A_2, %dma_wait3A_21] : memref<10112x128xf32, #tpu.memory_space<hbm>> -> memref<632x128xf32, #tpu.memory_space<hbm>>
      tpu.wait_dma2 semaphore(%run_scoped3A : memref<!tpu.dma_semaphore, #tpu.memory_space<semaphore_mem>>) src(%dma_wait3A_22 : memref<632x128xf32, #tpu.memory_space<hbm>>) dst(%dma_wait3A_20 : memref<632x128xf32, #tpu.memory_space<vmem_shared>>)
      tpu.yield
    }) : () -> ()
    "tpu.region"() ({
      %run_scoped3A = tpu.sem_alloc : memref<!tpu.dma_semaphore, #tpu.memory_space<semaphore_mem>>
      %dma_start3A = arith.constant 0 : i32
      %dma_start3A_17 = arith.constant 0 : i32
      %dma_start3A_18 = tpu.memref_slice %arg2[%add3A, %dma_start3A, %dma_start3A_17] : memref<32x121x128xi32, #tpu.memory_space<hbm>> -> memref<1x121x128xi32, #tpu.memory_space<hbm>>
      %dma_start3A_19 = tpu.memref_squeeze %dma_start3A_18 : memref<1x121x128xi32, #tpu.memory_space<hbm>> -> memref<121x128xi32, #tpu.memory_space<hbm>>
      %dma_start3A_20 = arith.constant 0 : i32
      %dma_start3A_21 = arith.constant 0 : i32
      %dma_start3A_22 = tpu.memref_slice %arg2[%add3A, %dma_start3A_20, %dma_start3A_21] : memref<32x121x128xi32, #tpu.memory_space<hbm>> -> memref<1x121x128xi32, #tpu.memory_space<hbm>>
      %dma_start3A_23 = tpu.memref_squeeze %dma_start3A_22 : memref<1x121x128xi32, #tpu.memory_space<hbm>> -> memref<121x128xi32, #tpu.memory_space<hbm>>
      tpu.enqueue_dma source(%dma_start3A_23 : memref<121x128xi32, #tpu.memory_space<hbm>>) target(%arg7 : memref<121x128xi32, #tpu.memory_space<vmem>>) target_semaphore(%run_scoped3A : memref<!tpu.dma_semaphore, #tpu.memory_space<semaphore_mem>>)
      %dma_wait3A = arith.constant 0 : i32
      %dma_wait3A_24 = arith.constant 0 : i32
      %dma_wait3A_25 = tpu.memref_slice %arg2[%add3A, %dma_wait3A, %dma_wait3A_24] : memref<32x121x128xi32, #tpu.memory_space<hbm>> -> memref<1x121x128xi32, #tpu.memory_space<hbm>>
      %dma_wait3A_26 = tpu.memref_squeeze %dma_wait3A_25 : memref<1x121x128xi32, #tpu.memory_space<hbm>> -> memref<121x128xi32, #tpu.memory_space<hbm>>
      %dma_wait3A_27 = arith.constant 0 : i32
      %dma_wait3A_28 = arith.constant 0 : i32
      %dma_wait3A_29 = tpu.memref_slice %arg2[%add3A, %dma_wait3A_27, %dma_wait3A_28] : memref<32x121x128xi32, #tpu.memory_space<hbm>> -> memref<1x121x128xi32, #tpu.memory_space<hbm>>
      %dma_wait3A_30 = tpu.memref_squeeze %dma_wait3A_29 : memref<1x121x128xi32, #tpu.memory_space<hbm>> -> memref<121x128xi32, #tpu.memory_space<hbm>>
      tpu.wait_dma2 semaphore(%run_scoped3A : memref<!tpu.dma_semaphore, #tpu.memory_space<semaphore_mem>>) src(%dma_wait3A_30 : memref<121x128xi32, #tpu.memory_space<hbm>>) dst(%arg7 : memref<121x128xi32, #tpu.memory_space<vmem>>)
      tpu.yield
    }) : () -> ()
    "tpu.region"() ({
      %run_scoped3A = tpu.sem_alloc : memref<!tpu.dma_semaphore, #tpu.memory_space<semaphore_mem>>
      %dma_start3A = arith.constant 0 : i32
      %dma_start3A_17 = arith.constant 0 : i32
      %dma_start3A_18 = tpu.memref_slice %arg3[%add3A, %dma_start3A, %dma_start3A_17] : memref<32x121x128xi32, #tpu.memory_space<hbm>> -> memref<1x121x128xi32, #tpu.memory_space<hbm>>
      %dma_start3A_19 = tpu.memref_squeeze %dma_start3A_18 : memref<1x121x128xi32, #tpu.memory_space<hbm>> -> memref<121x128xi32, #tpu.memory_space<hbm>>
      %dma_start3A_20 = arith.constant 0 : i32
      %dma_start3A_21 = arith.constant 0 : i32
      %dma_start3A_22 = tpu.memref_slice %arg3[%add3A, %dma_start3A_20, %dma_start3A_21] : memref<32x121x128xi32, #tpu.memory_space<hbm>> -> memref<1x121x128xi32, #tpu.memory_space<hbm>>
      %dma_start3A_23 = tpu.memref_squeeze %dma_start3A_22 : memref<1x121x128xi32, #tpu.memory_space<hbm>> -> memref<121x128xi32, #tpu.memory_space<hbm>>
      tpu.enqueue_dma source(%dma_start3A_23 : memref<121x128xi32, #tpu.memory_space<hbm>>) target(%arg8 : memref<121x128xi32, #tpu.memory_space<vmem>>) target_semaphore(%run_scoped3A : memref<!tpu.dma_semaphore, #tpu.memory_space<semaphore_mem>>)
      %dma_wait3A = arith.constant 0 : i32
      %dma_wait3A_24 = arith.constant 0 : i32
      %dma_wait3A_25 = tpu.memref_slice %arg3[%add3A, %dma_wait3A, %dma_wait3A_24] : memref<32x121x128xi32, #tpu.memory_space<hbm>> -> memref<1x121x128xi32, #tpu.memory_space<hbm>>
      %dma_wait3A_26 = tpu.memref_squeeze %dma_wait3A_25 : memref<1x121x128xi32, #tpu.memory_space<hbm>> -> memref<121x128xi32, #tpu.memory_space<hbm>>
      %dma_wait3A_27 = arith.constant 0 : i32
      %dma_wait3A_28 = arith.constant 0 : i32
      %dma_wait3A_29 = tpu.memref_slice %arg3[%add3A, %dma_wait3A_27, %dma_wait3A_28] : memref<32x121x128xi32, #tpu.memory_space<hbm>> -> memref<1x121x128xi32, #tpu.memory_space<hbm>>
      %dma_wait3A_30 = tpu.memref_squeeze %dma_wait3A_29 : memref<1x121x128xi32, #tpu.memory_space<hbm>> -> memref<121x128xi32, #tpu.memory_space<hbm>>
      tpu.wait_dma2 semaphore(%run_scoped3A : memref<!tpu.dma_semaphore, #tpu.memory_space<semaphore_mem>>) src(%dma_wait3A_30 : memref<121x128xi32, #tpu.memory_space<hbm>>) dst(%arg8 : memref<121x128xi32, #tpu.memory_space<vmem>>)
      tpu.yield
    }) : () -> ()
    %barrier3A = arith.constant 0 : index
    tpu.barrier barrier_id(%barrier3A)
    %eq3A = arith.constant 0 : i32
    %eq3A_5 = arith.cmpi eq, %arg0, %eq3A : i32
    %convert_element_type3A = arith.extui %eq3A_5 : i1 to i32
    %cond3A = arith.constant 0 : i32
    %cond3A_6 = arith.cmpi ne, %convert_element_type3A, %cond3A : i32
    scf.if %cond3A_6 {
      %scan3A = arith.constant 0 : i32
      %scan3A_17 = arith.constant 121 : i32
      %scan3A_18 = arith.addi %scan3A, %scan3A_17 : i32
      %scan3A_19 = arith.constant 1 : i32
      scf.for %scan3A_21 = %scan3A to %scan3A_18 step %scan3A_19  : i32 {
        %mul3A_22 = arith.constant 1 : i32
        %mul3A_23 = arith.muli %scan3A_21, %mul3A_22 : i32
        %add3A_24 = arith.constant 0 : i32
        %add3A_25 = arith.addi %add3A_24, %mul3A_23 : i32
        "tpu.region"() ({
          %run_scoped3A = tpu.sem_alloc : memref<!tpu.dma_semaphore, #tpu.memory_space<semaphore_mem>>
          %dma_start3A = arith.constant 0 : i32
          %dma_start3A_26 = tpu.memref_slice %arg7[%add3A_25, %dma_start3A] : memref<121x128xi32, #tpu.memory_space<vmem>> -> memref<1x128xi32, #tpu.memory_space<vmem>>
          %dma_start3A_27 = tpu.memref_squeeze %dma_start3A_26 : memref<1x128xi32, #tpu.memory_space<vmem>> -> memref<128xi32, #tpu.memory_space<vmem>>
          %dma_start3A_28 = arith.constant 0 : i32
          %dma_start3A_29 = arith.constant 0 : i32
          %dma_start3A_30 = tpu.memref_slice %arg4[%dma_start3A_28, %dma_start3A_29] : memref<10112x128xf32, #tpu.memory_space<hbm>> -> memref<10112x128xf32, #tpu.memory_space<hbm>>
          tpu.enqueue_indirect_dma source(%dma_start3A_30 : memref<10112x128xf32, #tpu.memory_space<hbm>>) target(%arg9 : memref<128x128xf32, #tpu.memory_space<vmem>>) offsets(%dma_start3A_27 : memref<128xi32, #tpu.memory_space<vmem>>) semaphore(%run_scoped3A : memref<!tpu.dma_semaphore, #tpu.memory_space<semaphore_mem>>)
          %dma_wait3A = arith.constant 0 : i32
          %dma_wait3A_31 = tpu.memref_slice %arg7[%add3A_25, %dma_wait3A] : memref<121x128xi32, #tpu.memory_space<vmem>> -> memref<1x128xi32, #tpu.memory_space<vmem>>
          %dma_wait3A_32 = tpu.memref_squeeze %dma_wait3A_31 : memref<1x128xi32, #tpu.memory_space<vmem>> -> memref<128xi32, #tpu.memory_space<vmem>>
          %dma_wait3A_33 = arith.constant 0 : i32
          %dma_wait3A_34 = arith.constant 0 : i32
          %dma_wait3A_35 = tpu.memref_slice %arg4[%dma_wait3A_33, %dma_wait3A_34] : memref<10112x128xf32, #tpu.memory_space<hbm>> -> memref<10112x128xf32, #tpu.memory_space<hbm>>
          tpu.wait_indirect_dma semaphore(%run_scoped3A : memref<!tpu.dma_semaphore, #tpu.memory_space<semaphore_mem>>) src(%dma_wait3A_35 : memref<10112x128xf32, #tpu.memory_space<hbm>>) dst(%arg9 : memref<128x128xf32, #tpu.memory_space<vmem>>)
          tpu.yield
        }) : () -> ()
        "tpu.region"() ({
          %run_scoped3A = tpu.sem_alloc : memref<!tpu.dma_semaphore, #tpu.memory_space<semaphore_mem>>
          %dma_start3A = arith.constant 0 : i32
          %dma_start3A_26 = tpu.memref_slice %arg8[%add3A_25, %dma_start3A] : memref<121x128xi32, #tpu.memory_space<vmem>> -> memref<1x128xi32, #tpu.memory_space<vmem>>
          %dma_start3A_27 = tpu.memref_squeeze %dma_start3A_26 : memref<1x128xi32, #tpu.memory_space<vmem>> -> memref<128xi32, #tpu.memory_space<vmem>>
          %dma_start3A_28 = arith.constant 0 : i32
          %dma_start3A_29 = arith.constant 0 : i32
          %dma_start3A_30 = tpu.memref_slice %arg10[%dma_start3A_28, %dma_start3A_29] : memref<10112x128xf32, #tpu.memory_space<vmem_shared>> -> memref<10112x128xf32, #tpu.memory_space<vmem_shared>>
          tpu.enqueue_indirect_dma source(%arg9 : memref<128x128xf32, #tpu.memory_space<vmem>>) target(%dma_start3A_30 : memref<10112x128xf32, #tpu.memory_space<vmem_shared>>) offsets(%dma_start3A_27 : memref<128xi32, #tpu.memory_space<vmem>>) semaphore(%run_scoped3A : memref<!tpu.dma_semaphore, #tpu.memory_space<semaphore_mem>>) {add = true}
          %dma_wait3A = arith.constant 0 : i32
          %dma_wait3A_31 = tpu.memref_slice %arg8[%add3A_25, %dma_wait3A] : memref<121x128xi32, #tpu.memory_space<vmem>> -> memref<1x128xi32, #tpu.memory_space<vmem>>
          %dma_wait3A_32 = tpu.memref_squeeze %dma_wait3A_31 : memref<1x128xi32, #tpu.memory_space<vmem>> -> memref<128xi32, #tpu.memory_space<vmem>>
          %dma_wait3A_33 = arith.constant 0 : i32
          %dma_wait3A_34 = arith.constant 0 : i32
          %dma_wait3A_35 = tpu.memref_slice %arg10[%dma_wait3A_33, %dma_wait3A_34] : memref<10112x128xf32, #tpu.memory_space<vmem_shared>> -> memref<10112x128xf32, #tpu.memory_space<vmem_shared>>
          tpu.wait_indirect_dma semaphore(%run_scoped3A : memref<!tpu.dma_semaphore, #tpu.memory_space<semaphore_mem>>) src(%arg9 : memref<128x128xf32, #tpu.memory_space<vmem>>) dst(%dma_wait3A_35 : memref<10112x128xf32, #tpu.memory_space<vmem_shared>>)
          tpu.yield
        }) : () -> ()
      }
      %scan3A_20 = arith.constant 121 : i32
    } else {
    }
    %eq3A_7 = arith.constant 1 : i32
    %eq3A_8 = arith.cmpi eq, %arg0, %eq3A_7 : i32
    %convert_element_type3A_9 = arith.extui %eq3A_8 : i1 to i32
    %cond3A_10 = arith.constant 0 : i32
    %cond3A_11 = arith.cmpi ne, %convert_element_type3A_9, %cond3A_10 : i32
    scf.if %cond3A_11 {
      %scan3A = arith.constant 0 : i32
      %scan3A_17 = arith.constant 37 : i32
      %scan3A_18 = arith.addi %scan3A, %scan3A_17 : i32
      %scan3A_19 = arith.constant 1 : i32
      scf.for %scan3A_21 = %scan3A to %scan3A_18 step %scan3A_19  : i32 {
        %mul3A_22 = arith.constant 1 : i32
        %mul3A_23 = arith.muli %scan3A_21, %mul3A_22 : i32
        %add3A_24 = arith.constant 0 : i32
        %add3A_25 = arith.addi %add3A_24, %mul3A_23 : i32
        "tpu.region"() ({
          %run_scoped3A = tpu.sem_alloc : memref<!tpu.dma_semaphore, #tpu.memory_space<semaphore_mem>>
          %dma_start3A = arith.constant 0 : i32
          %dma_start3A_26 = tpu.memref_slice %arg7[%add3A_25, %dma_start3A] : memref<121x128xi32, #tpu.memory_space<vmem>> -> memref<1x128xi32, #tpu.memory_space<vmem>>
          %dma_start3A_27 = tpu.memref_squeeze %dma_start3A_26 : memref<1x128xi32, #tpu.memory_space<vmem>> -> memref<128xi32, #tpu.memory_space<vmem>>
          %dma_start3A_28 = arith.constant 0 : i32
          %dma_start3A_29 = arith.constant 0 : i32
          %dma_start3A_30 = tpu.memref_slice %arg4[%dma_start3A_28, %dma_start3A_29] : memref<10112x128xf32, #tpu.memory_space<hbm>> -> memref<10112x128xf32, #tpu.memory_space<hbm>>
          tpu.enqueue_indirect_dma source(%dma_start3A_30 : memref<10112x128xf32, #tpu.memory_space<hbm>>) target(%arg9 : memref<128x128xf32, #tpu.memory_space<vmem>>) offsets(%dma_start3A_27 : memref<128xi32, #tpu.memory_space<vmem>>) semaphore(%run_scoped3A : memref<!tpu.dma_semaphore, #tpu.memory_space<semaphore_mem>>)
          %dma_wait3A = arith.constant 0 : i32
          %dma_wait3A_31 = tpu.memref_slice %arg7[%add3A_25, %dma_wait3A] : memref<121x128xi32, #tpu.memory_space<vmem>> -> memref<1x128xi32, #tpu.memory_space<vmem>>
          %dma_wait3A_32 = tpu.memref_squeeze %dma_wait3A_31 : memref<1x128xi32, #tpu.memory_space<vmem>> -> memref<128xi32, #tpu.memory_space<vmem>>
          %dma_wait3A_33 = arith.constant 0 : i32
          %dma_wait3A_34 = arith.constant 0 : i32
          %dma_wait3A_35 = tpu.memref_slice %arg4[%dma_wait3A_33, %dma_wait3A_34] : memref<10112x128xf32, #tpu.memory_space<hbm>> -> memref<10112x128xf32, #tpu.memory_space<hbm>>
          tpu.wait_indirect_dma semaphore(%run_scoped3A : memref<!tpu.dma_semaphore, #tpu.memory_space<semaphore_mem>>) src(%dma_wait3A_35 : memref<10112x128xf32, #tpu.memory_space<hbm>>) dst(%arg9 : memref<128x128xf32, #tpu.memory_space<vmem>>)
          tpu.yield
        }) : () -> ()
        "tpu.region"() ({
          %run_scoped3A = tpu.sem_alloc : memref<!tpu.dma_semaphore, #tpu.memory_space<semaphore_mem>>
          %dma_start3A = arith.constant 0 : i32
          %dma_start3A_26 = tpu.memref_slice %arg8[%add3A_25, %dma_start3A] : memref<121x128xi32, #tpu.memory_space<vmem>> -> memref<1x128xi32, #tpu.memory_space<vmem>>
          %dma_start3A_27 = tpu.memref_squeeze %dma_start3A_26 : memref<1x128xi32, #tpu.memory_space<vmem>> -> memref<128xi32, #tpu.memory_space<vmem>>
          %dma_start3A_28 = arith.constant 0 : i32
          %dma_start3A_29 = arith.constant 0 : i32
          %dma_start3A_30 = tpu.memref_slice %arg10[%dma_start3A_28, %dma_start3A_29] : memref<10112x128xf32, #tpu.memory_space<vmem_shared>> -> memref<10112x128xf32, #tpu.memory_space<vmem_shared>>
          tpu.enqueue_indirect_dma source(%arg9 : memref<128x128xf32, #tpu.memory_space<vmem>>) target(%dma_start3A_30 : memref<10112x128xf32, #tpu.memory_space<vmem_shared>>) offsets(%dma_start3A_27 : memref<128xi32, #tpu.memory_space<vmem>>) semaphore(%run_scoped3A : memref<!tpu.dma_semaphore, #tpu.memory_space<semaphore_mem>>) {add = true}
          %dma_wait3A = arith.constant 0 : i32
          %dma_wait3A_31 = tpu.memref_slice %arg8[%add3A_25, %dma_wait3A] : memref<121x128xi32, #tpu.memory_space<vmem>> -> memref<1x128xi32, #tpu.memory_space<vmem>>
          %dma_wait3A_32 = tpu.memref_squeeze %dma_wait3A_31 : memref<1x128xi32, #tpu.memory_space<vmem>> -> memref<128xi32, #tpu.memory_space<vmem>>
          %dma_wait3A_33 = arith.constant 0 : i32
          %dma_wait3A_34 = arith.constant 0 : i32
          %dma_wait3A_35 = tpu.memref_slice %arg10[%dma_wait3A_33, %dma_wait3A_34] : memref<10112x128xf32, #tpu.memory_space<vmem_shared>> -> memref<10112x128xf32, #tpu.memory_space<vmem_shared>>
          tpu.wait_indirect_dma semaphore(%run_scoped3A : memref<!tpu.dma_semaphore, #tpu.memory_space<semaphore_mem>>) src(%arg9 : memref<128x128xf32, #tpu.memory_space<vmem>>) dst(%dma_wait3A_35 : memref<10112x128xf32, #tpu.memory_space<vmem_shared>>)
          tpu.yield
        }) : () -> ()
      }
      %scan3A_20 = arith.constant 37 : i32
    } else {
    }
    %barrier3A_12 = arith.constant 0 : index
    tpu.barrier barrier_id(%barrier3A_12)
    %mul3A_13 = arith.constant 632 : i32
    %mul3A_14 = arith.muli %arg1, %mul3A_13 : i32
    %mul3A_15 = arith.constant 632 : i32
    %mul3A_16 = arith.muli %arg1, %mul3A_15 : i32
    "tpu.region"() ({
      %run_scoped3A = tpu.sem_alloc : memref<!tpu.dma_semaphore, #tpu.memory_space<semaphore_mem>>
      %dma_start3A = arith.constant 0 : i32
      %dma_start3A_17 = tpu.memref_slice %arg6[%arg0, %mul3A_16, %dma_start3A] : memref<2x10112x128xf32, #tpu.memory_space<hbm>> -> memref<1x632x128xf32, #tpu.memory_space<hbm>>
      %dma_start3A_18 = tpu.memref_squeeze %dma_start3A_17 : memref<1x632x128xf32, #tpu.memory_space<hbm>> -> memref<632x128xf32, #tpu.memory_space<hbm>>
      %dma_start3A_19 = arith.constant 0 : i32
      %dma_start3A_20 = tpu.memref_slice %arg10[%mul3A_14, %dma_start3A_19] : memref<10112x128xf32, #tpu.memory_space<vmem_shared>> -> memref<632x128xf32, #tpu.memory_space<vmem_shared>>
      tpu.enqueue_dma source(%dma_start3A_20 : memref<632x128xf32, #tpu.memory_space<vmem_shared>>) target(%dma_start3A_18 : memref<632x128xf32, #tpu.memory_space<hbm>>) target_semaphore(%run_scoped3A : memref<!tpu.dma_semaphore, #tpu.memory_space<semaphore_mem>>)
      %dma_wait3A = arith.constant 0 : i32
      %dma_wait3A_21 = tpu.memref_slice %arg6[%arg0, %mul3A_16, %dma_wait3A] : memref<2x10112x128xf32, #tpu.memory_space<hbm>> -> memref<1x632x128xf32, #tpu.memory_space<hbm>>
      %dma_wait3A_22 = tpu.memref_squeeze %dma_wait3A_21 : memref<1x632x128xf32, #tpu.memory_space<hbm>> -> memref<632x128xf32, #tpu.memory_space<hbm>>
      %dma_wait3A_23 = arith.constant 0 : i32
      %dma_wait3A_24 = tpu.memref_slice %arg10[%mul3A_14, %dma_wait3A_23] : memref<10112x128xf32, #tpu.memory_space<vmem_shared>> -> memref<632x128xf32, #tpu.memory_space<vmem_shared>>
      tpu.wait_dma2 semaphore(%run_scoped3A : memref<!tpu.dma_semaphore, #tpu.memory_space<semaphore_mem>>) src(%dma_wait3A_24 : memref<632x128xf32, #tpu.memory_space<vmem_shared>>) dst(%dma_wait3A_22 : memref<632x128xf32, #tpu.memory_space<hbm>>)
      tpu.yield
    }) : () -> ()
    return
  }
}

#map = affine_map<(d0, d1) -> (0, 0, 0)>
#map1 = affine_map<(d0, d1) -> (0, 0)>
module attributes {stable_mosaic.version = 14 : i64} {
  func.func @_deg_body(%arg0: i32, %arg1: i32, %arg2: memref<32x79x128xi32, #tpu.memory_space<hbm>>, %arg3: memref<128x128xf32, #tpu.memory_space<hbm>>, %arg4: memref<10112x128xf32, #tpu.memory_space<hbm>>, %arg5: memref<2x10112x128xf32, #tpu.memory_space<hbm>>, %arg6: memref<79x128xi32, #tpu.memory_space<vmem>>, %arg7: memref<128x128xf32, #tpu.memory_space<vmem>>, %arg8: memref<10112x128xf32, #tpu.memory_space<vmem_shared>>) attributes {dimension_semantics = [#tpu.dimension_semantics<core_parallel>, #tpu.dimension_semantics<subcore_parallel>], iteration_bounds = array<i64: 2, 16>, scalar_prefetch = 0 : i64, scratch_operands = 3 : i64, tpu.core_type = #tpu.core_type<sc_vector_subcore>, window_params = [{transform_indices = #map}, {transform_indices = #map1}, {transform_indices = #map1}, {transform_indices = #map}]} {
    %mul3A = arith.constant 16 : i32
    %mul3A_0 = arith.muli %arg0, %mul3A : i32
    %add3A = arith.addi %mul3A_0, %arg1 : i32
    %mul3A_1 = arith.constant 632 : i32
    %mul3A_2 = arith.muli %arg1, %mul3A_1 : i32
    %mul3A_3 = arith.constant 632 : i32
    %mul3A_4 = arith.muli %arg1, %mul3A_3 : i32
    "tpu.region"() ({
      %run_scoped3A = tpu.sem_alloc : memref<!tpu.dma_semaphore, #tpu.memory_space<semaphore_mem>>
      %dma_start3A = arith.constant 0 : i32
      %dma_start3A_14 = tpu.memref_slice %arg8[%mul3A_4, %dma_start3A] : memref<10112x128xf32, #tpu.memory_space<vmem_shared>> -> memref<632x128xf32, #tpu.memory_space<vmem_shared>>
      %dma_start3A_15 = arith.constant 0 : i32
      %dma_start3A_16 = tpu.memref_slice %arg4[%mul3A_2, %dma_start3A_15] : memref<10112x128xf32, #tpu.memory_space<hbm>> -> memref<632x128xf32, #tpu.memory_space<hbm>>
      tpu.enqueue_dma source(%dma_start3A_16 : memref<632x128xf32, #tpu.memory_space<hbm>>) target(%dma_start3A_14 : memref<632x128xf32, #tpu.memory_space<vmem_shared>>) target_semaphore(%run_scoped3A : memref<!tpu.dma_semaphore, #tpu.memory_space<semaphore_mem>>)
      %dma_wait3A = arith.constant 0 : i32
      %dma_wait3A_17 = tpu.memref_slice %arg8[%mul3A_4, %dma_wait3A] : memref<10112x128xf32, #tpu.memory_space<vmem_shared>> -> memref<632x128xf32, #tpu.memory_space<vmem_shared>>
      %dma_wait3A_18 = arith.constant 0 : i32
      %dma_wait3A_19 = tpu.memref_slice %arg4[%mul3A_2, %dma_wait3A_18] : memref<10112x128xf32, #tpu.memory_space<hbm>> -> memref<632x128xf32, #tpu.memory_space<hbm>>
      tpu.wait_dma2 semaphore(%run_scoped3A : memref<!tpu.dma_semaphore, #tpu.memory_space<semaphore_mem>>) src(%dma_wait3A_19 : memref<632x128xf32, #tpu.memory_space<hbm>>) dst(%dma_wait3A_17 : memref<632x128xf32, #tpu.memory_space<vmem_shared>>)
      tpu.yield
    }) : () -> ()
    "tpu.region"() ({
      %run_scoped3A = tpu.sem_alloc : memref<!tpu.dma_semaphore, #tpu.memory_space<semaphore_mem>>
      %dma_start3A = arith.constant 0 : i32
      %dma_start3A_14 = arith.constant 0 : i32
      %dma_start3A_15 = tpu.memref_slice %arg2[%add3A, %dma_start3A, %dma_start3A_14] : memref<32x79x128xi32, #tpu.memory_space<hbm>> -> memref<1x79x128xi32, #tpu.memory_space<hbm>>
      %dma_start3A_16 = tpu.memref_squeeze %dma_start3A_15 : memref<1x79x128xi32, #tpu.memory_space<hbm>> -> memref<79x128xi32, #tpu.memory_space<hbm>>
      %dma_start3A_17 = arith.constant 0 : i32
      %dma_start3A_18 = arith.constant 0 : i32
      %dma_start3A_19 = tpu.memref_slice %arg2[%add3A, %dma_start3A_17, %dma_start3A_18] : memref<32x79x128xi32, #tpu.memory_space<hbm>> -> memref<1x79x128xi32, #tpu.memory_space<hbm>>
      %dma_start3A_20 = tpu.memref_squeeze %dma_start3A_19 : memref<1x79x128xi32, #tpu.memory_space<hbm>> -> memref<79x128xi32, #tpu.memory_space<hbm>>
      tpu.enqueue_dma source(%dma_start3A_20 : memref<79x128xi32, #tpu.memory_space<hbm>>) target(%arg6 : memref<79x128xi32, #tpu.memory_space<vmem>>) target_semaphore(%run_scoped3A : memref<!tpu.dma_semaphore, #tpu.memory_space<semaphore_mem>>)
      %dma_wait3A = arith.constant 0 : i32
      %dma_wait3A_21 = arith.constant 0 : i32
      %dma_wait3A_22 = tpu.memref_slice %arg2[%add3A, %dma_wait3A, %dma_wait3A_21] : memref<32x79x128xi32, #tpu.memory_space<hbm>> -> memref<1x79x128xi32, #tpu.memory_space<hbm>>
      %dma_wait3A_23 = tpu.memref_squeeze %dma_wait3A_22 : memref<1x79x128xi32, #tpu.memory_space<hbm>> -> memref<79x128xi32, #tpu.memory_space<hbm>>
      %dma_wait3A_24 = arith.constant 0 : i32
      %dma_wait3A_25 = arith.constant 0 : i32
      %dma_wait3A_26 = tpu.memref_slice %arg2[%add3A, %dma_wait3A_24, %dma_wait3A_25] : memref<32x79x128xi32, #tpu.memory_space<hbm>> -> memref<1x79x128xi32, #tpu.memory_space<hbm>>
      %dma_wait3A_27 = tpu.memref_squeeze %dma_wait3A_26 : memref<1x79x128xi32, #tpu.memory_space<hbm>> -> memref<79x128xi32, #tpu.memory_space<hbm>>
      tpu.wait_dma2 semaphore(%run_scoped3A : memref<!tpu.dma_semaphore, #tpu.memory_space<semaphore_mem>>) src(%dma_wait3A_27 : memref<79x128xi32, #tpu.memory_space<hbm>>) dst(%arg6 : memref<79x128xi32, #tpu.memory_space<vmem>>)
      tpu.yield
    }) : () -> ()
    "tpu.region"() ({
      %run_scoped3A = tpu.sem_alloc : memref<!tpu.dma_semaphore, #tpu.memory_space<semaphore_mem>>
      tpu.enqueue_dma source(%arg3 : memref<128x128xf32, #tpu.memory_space<hbm>>) target(%arg7 : memref<128x128xf32, #tpu.memory_space<vmem>>) target_semaphore(%run_scoped3A : memref<!tpu.dma_semaphore, #tpu.memory_space<semaphore_mem>>)
      tpu.wait_dma2 semaphore(%run_scoped3A : memref<!tpu.dma_semaphore, #tpu.memory_space<semaphore_mem>>) src(%arg3 : memref<128x128xf32, #tpu.memory_space<hbm>>) dst(%arg7 : memref<128x128xf32, #tpu.memory_space<vmem>>)
      tpu.yield
    }) : () -> ()
    %barrier3A = arith.constant 0 : index
    tpu.barrier barrier_id(%barrier3A)
    %scan3A = arith.constant 0 : i32
    %scan3A_5 = arith.constant 79 : i32
    %scan3A_6 = arith.addi %scan3A, %scan3A_5 : i32
    %scan3A_7 = arith.constant 1 : i32
    scf.for %scan3A_14 = %scan3A to %scan3A_6 step %scan3A_7  : i32 {
      %mul3A_15 = arith.constant 1 : i32
      %mul3A_16 = arith.muli %scan3A_14, %mul3A_15 : i32
      %add3A_17 = arith.constant 0 : i32
      %add3A_18 = arith.addi %add3A_17, %mul3A_16 : i32
      "tpu.region"() ({
        %run_scoped3A = tpu.sem_alloc : memref<!tpu.dma_semaphore, #tpu.memory_space<semaphore_mem>>
        %dma_start3A = arith.constant 0 : i32
        %dma_start3A_19 = tpu.memref_slice %arg6[%add3A_18, %dma_start3A] : memref<79x128xi32, #tpu.memory_space<vmem>> -> memref<1x128xi32, #tpu.memory_space<vmem>>
        %dma_start3A_20 = tpu.memref_squeeze %dma_start3A_19 : memref<1x128xi32, #tpu.memory_space<vmem>> -> memref<128xi32, #tpu.memory_space<vmem>>
        %dma_start3A_21 = arith.constant 0 : i32
        %dma_start3A_22 = arith.constant 0 : i32
        %dma_start3A_23 = tpu.memref_slice %arg8[%dma_start3A_21, %dma_start3A_22] : memref<10112x128xf32, #tpu.memory_space<vmem_shared>> -> memref<10112x128xf32, #tpu.memory_space<vmem_shared>>
        tpu.enqueue_indirect_dma source(%arg7 : memref<128x128xf32, #tpu.memory_space<vmem>>) target(%dma_start3A_23 : memref<10112x128xf32, #tpu.memory_space<vmem_shared>>) offsets(%dma_start3A_20 : memref<128xi32, #tpu.memory_space<vmem>>) semaphore(%run_scoped3A : memref<!tpu.dma_semaphore, #tpu.memory_space<semaphore_mem>>) {add = true}
        %dma_wait3A = arith.constant 0 : i32
        %dma_wait3A_24 = tpu.memref_slice %arg6[%add3A_18, %dma_wait3A] : memref<79x128xi32, #tpu.memory_space<vmem>> -> memref<1x128xi32, #tpu.memory_space<vmem>>
        %dma_wait3A_25 = tpu.memref_squeeze %dma_wait3A_24 : memref<1x128xi32, #tpu.memory_space<vmem>> -> memref<128xi32, #tpu.memory_space<vmem>>
        %dma_wait3A_26 = arith.constant 0 : i32
        %dma_wait3A_27 = arith.constant 0 : i32
        %dma_wait3A_28 = tpu.memref_slice %arg8[%dma_wait3A_26, %dma_wait3A_27] : memref<10112x128xf32, #tpu.memory_space<vmem_shared>> -> memref<10112x128xf32, #tpu.memory_space<vmem_shared>>
        tpu.wait_indirect_dma semaphore(%run_scoped3A : memref<!tpu.dma_semaphore, #tpu.memory_space<semaphore_mem>>) src(%arg7 : memref<128x128xf32, #tpu.memory_space<vmem>>) dst(%dma_wait3A_28 : memref<10112x128xf32, #tpu.memory_space<vmem_shared>>)
        tpu.yield
      }) : () -> ()
    }
    %scan3A_8 = arith.constant 79 : i32
    %barrier3A_9 = arith.constant 0 : index
    tpu.barrier barrier_id(%barrier3A_9)
    %mul3A_10 = arith.constant 632 : i32
    %mul3A_11 = arith.muli %arg1, %mul3A_10 : i32
    %mul3A_12 = arith.constant 632 : i32
    %mul3A_13 = arith.muli %arg1, %mul3A_12 : i32
    "tpu.region"() ({
      %run_scoped3A = tpu.sem_alloc : memref<!tpu.dma_semaphore, #tpu.memory_space<semaphore_mem>>
      %dma_start3A = arith.constant 0 : i32
      %dma_start3A_14 = tpu.memref_slice %arg5[%arg0, %mul3A_13, %dma_start3A] : memref<2x10112x128xf32, #tpu.memory_space<hbm>> -> memref<1x632x128xf32, #tpu.memory_space<hbm>>
      %dma_start3A_15 = tpu.memref_squeeze %dma_start3A_14 : memref<1x632x128xf32, #tpu.memory_space<hbm>> -> memref<632x128xf32, #tpu.memory_space<hbm>>
      %dma_start3A_16 = arith.constant 0 : i32
      %dma_start3A_17 = tpu.memref_slice %arg8[%mul3A_11, %dma_start3A_16] : memref<10112x128xf32, #tpu.memory_space<vmem_shared>> -> memref<632x128xf32, #tpu.memory_space<vmem_shared>>
      tpu.enqueue_dma source(%dma_start3A_17 : memref<632x128xf32, #tpu.memory_space<vmem_shared>>) target(%dma_start3A_15 : memref<632x128xf32, #tpu.memory_space<hbm>>) target_semaphore(%run_scoped3A : memref<!tpu.dma_semaphore, #tpu.memory_space<semaphore_mem>>)
      %dma_wait3A = arith.constant 0 : i32
      %dma_wait3A_18 = tpu.memref_slice %arg5[%arg0, %mul3A_13, %dma_wait3A] : memref<2x10112x128xf32, #tpu.memory_space<hbm>> -> memref<1x632x128xf32, #tpu.memory_space<hbm>>
      %dma_wait3A_19 = tpu.memref_squeeze %dma_wait3A_18 : memref<1x632x128xf32, #tpu.memory_space<hbm>> -> memref<632x128xf32, #tpu.memory_space<hbm>>
      %dma_wait3A_20 = arith.constant 0 : i32
      %dma_wait3A_21 = tpu.memref_slice %arg8[%mul3A_11, %dma_wait3A_20] : memref<10112x128xf32, #tpu.memory_space<vmem_shared>> -> memref<632x128xf32, #tpu.memory_space<vmem_shared>>
      tpu.wait_dma2 semaphore(%run_scoped3A : memref<!tpu.dma_semaphore, #tpu.memory_space<semaphore_mem>>) src(%dma_wait3A_21 : memref<632x128xf32, #tpu.memory_space<vmem_shared>>) dst(%dma_wait3A_19 : memref<632x128xf32, #tpu.memory_space<hbm>>)
      tpu.yield
    }) : () -> ()
    return
  }
}

#map = affine_map<(d0, d1) -> (0, 0, 0)>
#map1 = affine_map<(d0, d1) -> (0, 0)>
module attributes {stable_mosaic.version = 14 : i64} {
  func.func @_agg_body(%arg0: i32, %arg1: i32, %arg2: memref<32x121x128xi32, #tpu.memory_space<hbm>>, %arg3: memref<32x121x128xi32, #tpu.memory_space<hbm>>, %arg4: memref<10112x128xf32, #tpu.memory_space<hbm>>, %arg5: memref<10112x128xf32, #tpu.memory_space<hbm>>, %arg6: memref<2x10112x128xf32, #tpu.memory_space<hbm>>, %arg7: memref<121x128xi32, #tpu.memory_space<vmem>>, %arg8: memref<121x128xi32, #tpu.memory_space<vmem>>, %arg9: memref<128x128xf32, #tpu.memory_space<vmem>>, %arg10: memref<10112x128xf32, #tpu.memory_space<vmem_shared>>) attributes {dimension_semantics = [#tpu.dimension_semantics<core_parallel>, #tpu.dimension_semantics<subcore_parallel>], iteration_bounds = array<i64: 2, 16>, scalar_prefetch = 0 : i64, scratch_operands = 4 : i64, tpu.core_type = #tpu.core_type<sc_vector_subcore>, window_params = [{transform_indices = #map}, {transform_indices = #map}, {transform_indices = #map1}, {transform_indices = #map1}, {transform_indices = #map}]} {
    %mul3A = arith.constant 16 : i32
    %mul3A_0 = arith.muli %arg0, %mul3A : i32
    %add3A = arith.addi %mul3A_0, %arg1 : i32
    %mul3A_1 = arith.constant 632 : i32
    %mul3A_2 = arith.muli %arg1, %mul3A_1 : i32
    %mul3A_3 = arith.constant 632 : i32
    %mul3A_4 = arith.muli %arg1, %mul3A_3 : i32
    "tpu.region"() ({
      %run_scoped3A = tpu.sem_alloc : memref<!tpu.dma_semaphore, #tpu.memory_space<semaphore_mem>>
      %dma_start3A = arith.constant 0 : i32
      %dma_start3A_17 = tpu.memref_slice %arg10[%mul3A_4, %dma_start3A] : memref<10112x128xf32, #tpu.memory_space<vmem_shared>> -> memref<632x128xf32, #tpu.memory_space<vmem_shared>>
      %dma_start3A_18 = arith.constant 0 : i32
      %dma_start3A_19 = tpu.memref_slice %arg5[%mul3A_2, %dma_start3A_18] : memref<10112x128xf32, #tpu.memory_space<hbm>> -> memref<632x128xf32, #tpu.memory_space<hbm>>
      tpu.enqueue_dma source(%dma_start3A_19 : memref<632x128xf32, #tpu.memory_space<hbm>>) target(%dma_start3A_17 : memref<632x128xf32, #tpu.memory_space<vmem_shared>>) target_semaphore(%run_scoped3A : memref<!tpu.dma_semaphore, #tpu.memory_space<semaphore_mem>>)
      %dma_wait3A = arith.constant 0 : i32
      %dma_wait3A_20 = tpu.memref_slice %arg10[%mul3A_4, %dma_wait3A] : memref<10112x128xf32, #tpu.memory_space<vmem_shared>> -> memref<632x128xf32, #tpu.memory_space<vmem_shared>>
      %dma_wait3A_21 = arith.constant 0 : i32
      %dma_wait3A_22 = tpu.memref_slice %arg5[%mul3A_2, %dma_wait3A_21] : memref<10112x128xf32, #tpu.memory_space<hbm>> -> memref<632x128xf32, #tpu.memory_space<hbm>>
      tpu.wait_dma2 semaphore(%run_scoped3A : memref<!tpu.dma_semaphore, #tpu.memory_space<semaphore_mem>>) src(%dma_wait3A_22 : memref<632x128xf32, #tpu.memory_space<hbm>>) dst(%dma_wait3A_20 : memref<632x128xf32, #tpu.memory_space<vmem_shared>>)
      tpu.yield
    }) : () -> ()
    "tpu.region"() ({
      %run_scoped3A = tpu.sem_alloc : memref<!tpu.dma_semaphore, #tpu.memory_space<semaphore_mem>>
      %dma_start3A = arith.constant 0 : i32
      %dma_start3A_17 = arith.constant 0 : i32
      %dma_start3A_18 = tpu.memref_slice %arg2[%add3A, %dma_start3A, %dma_start3A_17] : memref<32x121x128xi32, #tpu.memory_space<hbm>> -> memref<1x121x128xi32, #tpu.memory_space<hbm>>
      %dma_start3A_19 = tpu.memref_squeeze %dma_start3A_18 : memref<1x121x128xi32, #tpu.memory_space<hbm>> -> memref<121x128xi32, #tpu.memory_space<hbm>>
      %dma_start3A_20 = arith.constant 0 : i32
      %dma_start3A_21 = arith.constant 0 : i32
      %dma_start3A_22 = tpu.memref_slice %arg2[%add3A, %dma_start3A_20, %dma_start3A_21] : memref<32x121x128xi32, #tpu.memory_space<hbm>> -> memref<1x121x128xi32, #tpu.memory_space<hbm>>
      %dma_start3A_23 = tpu.memref_squeeze %dma_start3A_22 : memref<1x121x128xi32, #tpu.memory_space<hbm>> -> memref<121x128xi32, #tpu.memory_space<hbm>>
      tpu.enqueue_dma source(%dma_start3A_23 : memref<121x128xi32, #tpu.memory_space<hbm>>) target(%arg7 : memref<121x128xi32, #tpu.memory_space<vmem>>) target_semaphore(%run_scoped3A : memref<!tpu.dma_semaphore, #tpu.memory_space<semaphore_mem>>)
      %dma_wait3A = arith.constant 0 : i32
      %dma_wait3A_24 = arith.constant 0 : i32
      %dma_wait3A_25 = tpu.memref_slice %arg2[%add3A, %dma_wait3A, %dma_wait3A_24] : memref<32x121x128xi32, #tpu.memory_space<hbm>> -> memref<1x121x128xi32, #tpu.memory_space<hbm>>
      %dma_wait3A_26 = tpu.memref_squeeze %dma_wait3A_25 : memref<1x121x128xi32, #tpu.memory_space<hbm>> -> memref<121x128xi32, #tpu.memory_space<hbm>>
      %dma_wait3A_27 = arith.constant 0 : i32
      %dma_wait3A_28 = arith.constant 0 : i32
      %dma_wait3A_29 = tpu.memref_slice %arg2[%add3A, %dma_wait3A_27, %dma_wait3A_28] : memref<32x121x128xi32, #tpu.memory_space<hbm>> -> memref<1x121x128xi32, #tpu.memory_space<hbm>>
      %dma_wait3A_30 = tpu.memref_squeeze %dma_wait3A_29 : memref<1x121x128xi32, #tpu.memory_space<hbm>> -> memref<121x128xi32, #tpu.memory_space<hbm>>
      tpu.wait_dma2 semaphore(%run_scoped3A : memref<!tpu.dma_semaphore, #tpu.memory_space<semaphore_mem>>) src(%dma_wait3A_30 : memref<121x128xi32, #tpu.memory_space<hbm>>) dst(%arg7 : memref<121x128xi32, #tpu.memory_space<vmem>>)
      tpu.yield
    }) : () -> ()
    "tpu.region"() ({
      %run_scoped3A = tpu.sem_alloc : memref<!tpu.dma_semaphore, #tpu.memory_space<semaphore_mem>>
      %dma_start3A = arith.constant 0 : i32
      %dma_start3A_17 = arith.constant 0 : i32
      %dma_start3A_18 = tpu.memref_slice %arg3[%add3A, %dma_start3A, %dma_start3A_17] : memref<32x121x128xi32, #tpu.memory_space<hbm>> -> memref<1x121x128xi32, #tpu.memory_space<hbm>>
      %dma_start3A_19 = tpu.memref_squeeze %dma_start3A_18 : memref<1x121x128xi32, #tpu.memory_space<hbm>> -> memref<121x128xi32, #tpu.memory_space<hbm>>
      %dma_start3A_20 = arith.constant 0 : i32
      %dma_start3A_21 = arith.constant 0 : i32
      %dma_start3A_22 = tpu.memref_slice %arg3[%add3A, %dma_start3A_20, %dma_start3A_21] : memref<32x121x128xi32, #tpu.memory_space<hbm>> -> memref<1x121x128xi32, #tpu.memory_space<hbm>>
      %dma_start3A_23 = tpu.memref_squeeze %dma_start3A_22 : memref<1x121x128xi32, #tpu.memory_space<hbm>> -> memref<121x128xi32, #tpu.memory_space<hbm>>
      tpu.enqueue_dma source(%dma_start3A_23 : memref<121x128xi32, #tpu.memory_space<hbm>>) target(%arg8 : memref<121x128xi32, #tpu.memory_space<vmem>>) target_semaphore(%run_scoped3A : memref<!tpu.dma_semaphore, #tpu.memory_space<semaphore_mem>>)
      %dma_wait3A = arith.constant 0 : i32
      %dma_wait3A_24 = arith.constant 0 : i32
      %dma_wait3A_25 = tpu.memref_slice %arg3[%add3A, %dma_wait3A, %dma_wait3A_24] : memref<32x121x128xi32, #tpu.memory_space<hbm>> -> memref<1x121x128xi32, #tpu.memory_space<hbm>>
      %dma_wait3A_26 = tpu.memref_squeeze %dma_wait3A_25 : memref<1x121x128xi32, #tpu.memory_space<hbm>> -> memref<121x128xi32, #tpu.memory_space<hbm>>
      %dma_wait3A_27 = arith.constant 0 : i32
      %dma_wait3A_28 = arith.constant 0 : i32
      %dma_wait3A_29 = tpu.memref_slice %arg3[%add3A, %dma_wait3A_27, %dma_wait3A_28] : memref<32x121x128xi32, #tpu.memory_space<hbm>> -> memref<1x121x128xi32, #tpu.memory_space<hbm>>
      %dma_wait3A_30 = tpu.memref_squeeze %dma_wait3A_29 : memref<1x121x128xi32, #tpu.memory_space<hbm>> -> memref<121x128xi32, #tpu.memory_space<hbm>>
      tpu.wait_dma2 semaphore(%run_scoped3A : memref<!tpu.dma_semaphore, #tpu.memory_space<semaphore_mem>>) src(%dma_wait3A_30 : memref<121x128xi32, #tpu.memory_space<hbm>>) dst(%arg8 : memref<121x128xi32, #tpu.memory_space<vmem>>)
      tpu.yield
    }) : () -> ()
    %barrier3A = arith.constant 0 : index
    tpu.barrier barrier_id(%barrier3A)
    %eq3A = arith.constant 0 : i32
    %eq3A_5 = arith.cmpi eq, %arg0, %eq3A : i32
    %convert_element_type3A = arith.extui %eq3A_5 : i1 to i32
    %cond3A = arith.constant 0 : i32
    %cond3A_6 = arith.cmpi ne, %convert_element_type3A, %cond3A : i32
    scf.if %cond3A_6 {
      %scan3A = arith.constant 0 : i32
      %scan3A_17 = arith.constant 121 : i32
      %scan3A_18 = arith.addi %scan3A, %scan3A_17 : i32
      %scan3A_19 = arith.constant 1 : i32
      scf.for %scan3A_21 = %scan3A to %scan3A_18 step %scan3A_19  : i32 {
        %mul3A_22 = arith.constant 1 : i32
        %mul3A_23 = arith.muli %scan3A_21, %mul3A_22 : i32
        %add3A_24 = arith.constant 0 : i32
        %add3A_25 = arith.addi %add3A_24, %mul3A_23 : i32
        "tpu.region"() ({
          %run_scoped3A = tpu.sem_alloc : memref<!tpu.dma_semaphore, #tpu.memory_space<semaphore_mem>>
          %dma_start3A = arith.constant 0 : i32
          %dma_start3A_26 = tpu.memref_slice %arg7[%add3A_25, %dma_start3A] : memref<121x128xi32, #tpu.memory_space<vmem>> -> memref<1x128xi32, #tpu.memory_space<vmem>>
          %dma_start3A_27 = tpu.memref_squeeze %dma_start3A_26 : memref<1x128xi32, #tpu.memory_space<vmem>> -> memref<128xi32, #tpu.memory_space<vmem>>
          %dma_start3A_28 = arith.constant 0 : i32
          %dma_start3A_29 = arith.constant 0 : i32
          %dma_start3A_30 = tpu.memref_slice %arg4[%dma_start3A_28, %dma_start3A_29] : memref<10112x128xf32, #tpu.memory_space<hbm>> -> memref<10112x128xf32, #tpu.memory_space<hbm>>
          tpu.enqueue_indirect_dma source(%dma_start3A_30 : memref<10112x128xf32, #tpu.memory_space<hbm>>) target(%arg9 : memref<128x128xf32, #tpu.memory_space<vmem>>) offsets(%dma_start3A_27 : memref<128xi32, #tpu.memory_space<vmem>>) semaphore(%run_scoped3A : memref<!tpu.dma_semaphore, #tpu.memory_space<semaphore_mem>>)
          %dma_wait3A = arith.constant 0 : i32
          %dma_wait3A_31 = tpu.memref_slice %arg7[%add3A_25, %dma_wait3A] : memref<121x128xi32, #tpu.memory_space<vmem>> -> memref<1x128xi32, #tpu.memory_space<vmem>>
          %dma_wait3A_32 = tpu.memref_squeeze %dma_wait3A_31 : memref<1x128xi32, #tpu.memory_space<vmem>> -> memref<128xi32, #tpu.memory_space<vmem>>
          %dma_wait3A_33 = arith.constant 0 : i32
          %dma_wait3A_34 = arith.constant 0 : i32
          %dma_wait3A_35 = tpu.memref_slice %arg4[%dma_wait3A_33, %dma_wait3A_34] : memref<10112x128xf32, #tpu.memory_space<hbm>> -> memref<10112x128xf32, #tpu.memory_space<hbm>>
          tpu.wait_indirect_dma semaphore(%run_scoped3A : memref<!tpu.dma_semaphore, #tpu.memory_space<semaphore_mem>>) src(%dma_wait3A_35 : memref<10112x128xf32, #tpu.memory_space<hbm>>) dst(%arg9 : memref<128x128xf32, #tpu.memory_space<vmem>>)
          tpu.yield
        }) : () -> ()
        "tpu.region"() ({
          %run_scoped3A = tpu.sem_alloc : memref<!tpu.dma_semaphore, #tpu.memory_space<semaphore_mem>>
          %dma_start3A = arith.constant 0 : i32
          %dma_start3A_26 = tpu.memref_slice %arg8[%add3A_25, %dma_start3A] : memref<121x128xi32, #tpu.memory_space<vmem>> -> memref<1x128xi32, #tpu.memory_space<vmem>>
          %dma_start3A_27 = tpu.memref_squeeze %dma_start3A_26 : memref<1x128xi32, #tpu.memory_space<vmem>> -> memref<128xi32, #tpu.memory_space<vmem>>
          %dma_start3A_28 = arith.constant 0 : i32
          %dma_start3A_29 = arith.constant 0 : i32
          %dma_start3A_30 = tpu.memref_slice %arg10[%dma_start3A_28, %dma_start3A_29] : memref<10112x128xf32, #tpu.memory_space<vmem_shared>> -> memref<10112x128xf32, #tpu.memory_space<vmem_shared>>
          tpu.enqueue_indirect_dma source(%arg9 : memref<128x128xf32, #tpu.memory_space<vmem>>) target(%dma_start3A_30 : memref<10112x128xf32, #tpu.memory_space<vmem_shared>>) offsets(%dma_start3A_27 : memref<128xi32, #tpu.memory_space<vmem>>) semaphore(%run_scoped3A : memref<!tpu.dma_semaphore, #tpu.memory_space<semaphore_mem>>) {add = true}
          %dma_wait3A = arith.constant 0 : i32
          %dma_wait3A_31 = tpu.memref_slice %arg8[%add3A_25, %dma_wait3A] : memref<121x128xi32, #tpu.memory_space<vmem>> -> memref<1x128xi32, #tpu.memory_space<vmem>>
          %dma_wait3A_32 = tpu.memref_squeeze %dma_wait3A_31 : memref<1x128xi32, #tpu.memory_space<vmem>> -> memref<128xi32, #tpu.memory_space<vmem>>
          %dma_wait3A_33 = arith.constant 0 : i32
          %dma_wait3A_34 = arith.constant 0 : i32
          %dma_wait3A_35 = tpu.memref_slice %arg10[%dma_wait3A_33, %dma_wait3A_34] : memref<10112x128xf32, #tpu.memory_space<vmem_shared>> -> memref<10112x128xf32, #tpu.memory_space<vmem_shared>>
          tpu.wait_indirect_dma semaphore(%run_scoped3A : memref<!tpu.dma_semaphore, #tpu.memory_space<semaphore_mem>>) src(%arg9 : memref<128x128xf32, #tpu.memory_space<vmem>>) dst(%dma_wait3A_35 : memref<10112x128xf32, #tpu.memory_space<vmem_shared>>)
          tpu.yield
        }) : () -> ()
      }
      %scan3A_20 = arith.constant 121 : i32
    } else {
    }
    %eq3A_7 = arith.constant 1 : i32
    %eq3A_8 = arith.cmpi eq, %arg0, %eq3A_7 : i32
    %convert_element_type3A_9 = arith.extui %eq3A_8 : i1 to i32
    %cond3A_10 = arith.constant 0 : i32
    %cond3A_11 = arith.cmpi ne, %convert_element_type3A_9, %cond3A_10 : i32
    scf.if %cond3A_11 {
      %scan3A = arith.constant 0 : i32
      %scan3A_17 = arith.constant 37 : i32
      %scan3A_18 = arith.addi %scan3A, %scan3A_17 : i32
      %scan3A_19 = arith.constant 1 : i32
      scf.for %scan3A_21 = %scan3A to %scan3A_18 step %scan3A_19  : i32 {
        %mul3A_22 = arith.constant 1 : i32
        %mul3A_23 = arith.muli %scan3A_21, %mul3A_22 : i32
        %add3A_24 = arith.constant 0 : i32
        %add3A_25 = arith.addi %add3A_24, %mul3A_23 : i32
        "tpu.region"() ({
          %run_scoped3A = tpu.sem_alloc : memref<!tpu.dma_semaphore, #tpu.memory_space<semaphore_mem>>
          %dma_start3A = arith.constant 0 : i32
          %dma_start3A_26 = tpu.memref_slice %arg7[%add3A_25, %dma_start3A] : memref<121x128xi32, #tpu.memory_space<vmem>> -> memref<1x128xi32, #tpu.memory_space<vmem>>
          %dma_start3A_27 = tpu.memref_squeeze %dma_start3A_26 : memref<1x128xi32, #tpu.memory_space<vmem>> -> memref<128xi32, #tpu.memory_space<vmem>>
          %dma_start3A_28 = arith.constant 0 : i32
          %dma_start3A_29 = arith.constant 0 : i32
          %dma_start3A_30 = tpu.memref_slice %arg4[%dma_start3A_28, %dma_start3A_29] : memref<10112x128xf32, #tpu.memory_space<hbm>> -> memref<10112x128xf32, #tpu.memory_space<hbm>>
          tpu.enqueue_indirect_dma source(%dma_start3A_30 : memref<10112x128xf32, #tpu.memory_space<hbm>>) target(%arg9 : memref<128x128xf32, #tpu.memory_space<vmem>>) offsets(%dma_start3A_27 : memref<128xi32, #tpu.memory_space<vmem>>) semaphore(%run_scoped3A : memref<!tpu.dma_semaphore, #tpu.memory_space<semaphore_mem>>)
          %dma_wait3A = arith.constant 0 : i32
          %dma_wait3A_31 = tpu.memref_slice %arg7[%add3A_25, %dma_wait3A] : memref<121x128xi32, #tpu.memory_space<vmem>> -> memref<1x128xi32, #tpu.memory_space<vmem>>
          %dma_wait3A_32 = tpu.memref_squeeze %dma_wait3A_31 : memref<1x128xi32, #tpu.memory_space<vmem>> -> memref<128xi32, #tpu.memory_space<vmem>>
          %dma_wait3A_33 = arith.constant 0 : i32
          %dma_wait3A_34 = arith.constant 0 : i32
          %dma_wait3A_35 = tpu.memref_slice %arg4[%dma_wait3A_33, %dma_wait3A_34] : memref<10112x128xf32, #tpu.memory_space<hbm>> -> memref<10112x128xf32, #tpu.memory_space<hbm>>
          tpu.wait_indirect_dma semaphore(%run_scoped3A : memref<!tpu.dma_semaphore, #tpu.memory_space<semaphore_mem>>) src(%dma_wait3A_35 : memref<10112x128xf32, #tpu.memory_space<hbm>>) dst(%arg9 : memref<128x128xf32, #tpu.memory_space<vmem>>)
          tpu.yield
        }) : () -> ()
        "tpu.region"() ({
          %run_scoped3A = tpu.sem_alloc : memref<!tpu.dma_semaphore, #tpu.memory_space<semaphore_mem>>
          %dma_start3A = arith.constant 0 : i32
          %dma_start3A_26 = tpu.memref_slice %arg8[%add3A_25, %dma_start3A] : memref<121x128xi32, #tpu.memory_space<vmem>> -> memref<1x128xi32, #tpu.memory_space<vmem>>
          %dma_start3A_27 = tpu.memref_squeeze %dma_start3A_26 : memref<1x128xi32, #tpu.memory_space<vmem>> -> memref<128xi32, #tpu.memory_space<vmem>>
          %dma_start3A_28 = arith.constant 0 : i32
          %dma_start3A_29 = arith.constant 0 : i32
          %dma_start3A_30 = tpu.memref_slice %arg10[%dma_start3A_28, %dma_start3A_29] : memref<10112x128xf32, #tpu.memory_space<vmem_shared>> -> memref<10112x128xf32, #tpu.memory_space<vmem_shared>>
          tpu.enqueue_indirect_dma source(%arg9 : memref<128x128xf32, #tpu.memory_space<vmem>>) target(%dma_start3A_30 : memref<10112x128xf32, #tpu.memory_space<vmem_shared>>) offsets(%dma_start3A_27 : memref<128xi32, #tpu.memory_space<vmem>>) semaphore(%run_scoped3A : memref<!tpu.dma_semaphore, #tpu.memory_space<semaphore_mem>>) {add = true}
          %dma_wait3A = arith.constant 0 : i32
          %dma_wait3A_31 = tpu.memref_slice %arg8[%add3A_25, %dma_wait3A] : memref<121x128xi32, #tpu.memory_space<vmem>> -> memref<1x128xi32, #tpu.memory_space<vmem>>
          %dma_wait3A_32 = tpu.memref_squeeze %dma_wait3A_31 : memref<1x128xi32, #tpu.memory_space<vmem>> -> memref<128xi32, #tpu.memory_space<vmem>>
          %dma_wait3A_33 = arith.constant 0 : i32
          %dma_wait3A_34 = arith.constant 0 : i32
          %dma_wait3A_35 = tpu.memref_slice %arg10[%dma_wait3A_33, %dma_wait3A_34] : memref<10112x128xf32, #tpu.memory_space<vmem_shared>> -> memref<10112x128xf32, #tpu.memory_space<vmem_shared>>
          tpu.wait_indirect_dma semaphore(%run_scoped3A : memref<!tpu.dma_semaphore, #tpu.memory_space<semaphore_mem>>) src(%arg9 : memref<128x128xf32, #tpu.memory_space<vmem>>) dst(%dma_wait3A_35 : memref<10112x128xf32, #tpu.memory_space<vmem_shared>>)
          tpu.yield
        }) : () -> ()
      }
      %scan3A_20 = arith.constant 37 : i32
    } else {
    }
    %barrier3A_12 = arith.constant 0 : index
    tpu.barrier barrier_id(%barrier3A_12)
    %mul3A_13 = arith.constant 632 : i32
    %mul3A_14 = arith.muli %arg1, %mul3A_13 : i32
    %mul3A_15 = arith.constant 632 : i32
    %mul3A_16 = arith.muli %arg1, %mul3A_15 : i32
    "tpu.region"() ({
      %run_scoped3A = tpu.sem_alloc : memref<!tpu.dma_semaphore, #tpu.memory_space<semaphore_mem>>
      %dma_start3A = arith.constant 0 : i32
      %dma_start3A_17 = tpu.memref_slice %arg6[%arg0, %mul3A_16, %dma_start3A] : memref<2x10112x128xf32, #tpu.memory_space<hbm>> -> memref<1x632x128xf32, #tpu.memory_space<hbm>>
      %dma_start3A_18 = tpu.memref_squeeze %dma_start3A_17 : memref<1x632x128xf32, #tpu.memory_space<hbm>> -> memref<632x128xf32, #tpu.memory_space<hbm>>
      %dma_start3A_19 = arith.constant 0 : i32
      %dma_start3A_20 = tpu.memref_slice %arg10[%mul3A_14, %dma_start3A_19] : memref<10112x128xf32, #tpu.memory_space<vmem_shared>> -> memref<632x128xf32, #tpu.memory_space<vmem_shared>>
      tpu.enqueue_dma source(%dma_start3A_20 : memref<632x128xf32, #tpu.memory_space<vmem_shared>>) target(%dma_start3A_18 : memref<632x128xf32, #tpu.memory_space<hbm>>) target_semaphore(%run_scoped3A : memref<!tpu.dma_semaphore, #tpu.memory_space<semaphore_mem>>)
      %dma_wait3A = arith.constant 0 : i32
      %dma_wait3A_21 = tpu.memref_slice %arg6[%arg0, %mul3A_16, %dma_wait3A] : memref<2x10112x128xf32, #tpu.memory_space<hbm>> -> memref<1x632x128xf32, #tpu.memory_space<hbm>>
      %dma_wait3A_22 = tpu.memref_squeeze %dma_wait3A_21 : memref<1x632x128xf32, #tpu.memory_space<hbm>> -> memref<632x128xf32, #tpu.memory_space<hbm>>
      %dma_wait3A_23 = arith.constant 0 : i32
      %dma_wait3A_24 = tpu.memref_slice %arg10[%mul3A_14, %dma_wait3A_23] : memref<10112x128xf32, #tpu.memory_space<vmem_shared>> -> memref<632x128xf32, #tpu.memory_space<vmem_shared>>
      tpu.wait_dma2 semaphore(%run_scoped3A : memref<!tpu.dma_semaphore, #tpu.memory_space<semaphore_mem>>) src(%dma_wait3A_24 : memref<632x128xf32, #tpu.memory_space<vmem_shared>>) dst(%dma_wait3A_22 : memref<632x128xf32, #tpu.memory_space<hbm>>)
      tpu.yield
    }) : () -> ()
    return
  }
}

module attributes {stable_mosaic.version = 14 : i64} {
  func.func @_mm_body(%arg0: i32, %arg1: memref<2528x128xf32, #tpu.memory_space<vmem>>, %arg2: memref<128x128xf32, #tpu.memory_space<vmem>>, %arg3: memref<2528x128xf32, #tpu.memory_space<vmem>>) attributes {dimension_semantics = [#tpu.dimension_semantics<arbitrary>], iteration_bounds = array<i64: 4>, scalar_prefetch = 0 : i64, scratch_operands = 0 : i64, tpu.core_type = #tpu.core_type<tc>, window_params = [{transform_indices = @transform_0, window_bounds = array<i64: 2528, 128>}, {pipeline_mode = #tpu.pipeline_mode<synchronous>, transform_indices = @transform_1, window_bounds = array<i64: 128, 128>}, {transform_indices = @transform_2, window_bounds = array<i64: 2528, 128>}]} {
    %get3A = arith.constant 0 : index
    %get3A_0 = arith.constant 0 : index
    %get3A_1 = vector.load %arg1[%get3A, %get3A_0] : memref<2528x128xf32, #tpu.memory_space<vmem>>, vector<2528x128xf32>
    %get3A_2 = arith.constant 0 : index
    %get3A_3 = arith.constant 0 : index
    %get3A_4 = vector.load %arg2[%get3A_2, %get3A_3] : memref<128x128xf32, #tpu.memory_space<vmem>>, vector<128x128xf32>
    %dot_general3A = arith.constant dense<0.000000e+00> : vector<2528x128xf32>
    %dot_general3A_5 = tpu.matmul %get3A_1, %get3A_4, %dot_general3A {dimension_numbers = #tpu.dot_dimension_numbers<[1], [0], [0], [1], [0, 0, 1, 1], [], []>, transpose_lhs_hint = false} : vector<2528x128xf32>, vector<128x128xf32>, vector<2528x128xf32> -> vector<2528x128xf32>
    %swap3A = arith.constant 0 : index
    %swap3A_6 = arith.constant 0 : index
    %swap3A_7 = vector.load %arg3[%swap3A, %swap3A_6] : memref<2528x128xf32, #tpu.memory_space<vmem>>, vector<2528x128xf32>
    tpu.vector_store %arg3[%swap3A, %swap3A_6], %dot_general3A_5 {strides = array<i32>} : memref<2528x128xf32, #tpu.memory_space<vmem>>, vector<2528x128xf32>,
    return
  }
  func.func @transform_0(%arg0: i32) -> (i32, i32) {
    %c0_i32 = arith.constant 0 : i32
    %c0_i32_0 = arith.constant 0 : i32
    return %arg0, %c0_i32 : i32, i32
  }
  func.func @transform_1(%arg0: i32) -> (i32, i32) {
    %c0_i32 = arith.constant 0 : i32
    %c0_i32_0 = arith.constant 0 : i32
    %c0_i32_1 = arith.constant 0 : i32
    return %c0_i32, %c0_i32_0 : i32, i32
  }
  func.func @transform_2(%arg0: i32) -> (i32, i32) {
    %c0_i32 = arith.constant 0 : i32
    %c0_i32_0 = arith.constant 0 : i32
    return %arg0, %c0_i32 : i32, i32
  }
}

module attributes {stable_mosaic.version = 14 : i64} {
  func.func @_prep_body(%arg0: memref<2x10112x128xf32, #tpu.memory_space<vmem>>, %arg1: memref<10112x128xf32, #tpu.memory_space<vmem>>, %arg2: memref<10112x16xf32, #tpu.memory_space<vmem>>, %arg3: memref<10112x128xf32, #tpu.memory_space<vmem>>) attributes {dimension_semantics = [], scalar_prefetch = 0 : i64, scratch_operands = 0 : i64, tpu.core_type = #tpu.core_type<tc>} {
    %get3A = arith.constant 0 : index
    %get3A_0 = arith.constant 0 : index
    %get3A_1 = arith.constant 0 : index
    %get3A_2 = vector.load %arg0[%get3A, %get3A_0, %get3A_1] : memref<2x10112x128xf32, #tpu.memory_space<vmem>>, vector<1x10112x128xf32>
    %get3A_3 = vector.shape_cast %get3A_2 : vector<1x10112x128xf32> to vector<10112x128xf32>
    %slice3A = vector.extract_strided_slice %get3A_3 {offsets = [0, 0], sizes = [10112, 16], strides = [1, 1]} : vector<10112x128xf32> to vector<10112x16xf32>
    %get3A_4 = arith.constant 1 : index
    %get3A_5 = arith.constant 0 : index
    %get3A_6 = arith.constant 0 : index
    %get3A_7 = vector.load %arg0[%get3A_4, %get3A_5, %get3A_6] : memref<2x10112x128xf32, #tpu.memory_space<vmem>>, vector<1x10112x128xf32>
    %get3A_8 = vector.shape_cast %get3A_7 : vector<1x10112x128xf32> to vector<10112x128xf32>
    %slice3A_9 = vector.extract_strided_slice %get3A_8 {offsets = [0, 0], sizes = [10112, 16], strides = [1, 1]} : vector<10112x128xf32> to vector<10112x16xf32>
    %add3A = arith.addf %slice3A, %slice3A_9 : vector<10112x16xf32>
    %add3A_10 = arith.constant 1.000000e+00 : f32
    %add3A_11 = vector.broadcast %add3A_10 : f32 to vector<10112x16xf32>
    %add3A_12 = arith.addf %add3A, %add3A_11 : vector<10112x16xf32>
    %rsqrt3A = math.rsqrt %add3A_12 : vector<10112x16xf32>
    %swap3A = arith.constant 0 : index
    %swap3A_13 = arith.constant 0 : index
    %swap3A_14 = vector.load %arg2[%swap3A, %swap3A_13] : memref<10112x16xf32, #tpu.memory_space<vmem>>, vector<10112x16xf32>
    tpu.vector_store %arg2[%swap3A, %swap3A_13], %rsqrt3A {strides = array<i32>} : memref<10112x16xf32, #tpu.memory_space<vmem>>, vector<10112x16xf32>,
    %slice3A_15 = vector.extract_strided_slice %rsqrt3A {offsets = [0, 0], sizes = [10112, 1], strides = [1, 1]} : vector<10112x16xf32> to vector<10112x1xf32>
    %get3A_16 = arith.constant 0 : index
    %get3A_17 = arith.constant 0 : index
    %get3A_18 = vector.load %arg1[%get3A_16, %get3A_17] : memref<10112x128xf32, #tpu.memory_space<vmem>>, vector<10112x128xf32>
    %mul3A = vector.broadcast %slice3A_15 : vector<10112x1xf32> to vector<10112x128xf32>
    %mul3A_19 = arith.mulf %mul3A, %get3A_18 : vector<10112x128xf32>
    %swap3A_20 = arith.constant 0 : index
    %swap3A_21 = arith.constant 0 : index
    %swap3A_22 = vector.load %arg3[%swap3A_20, %swap3A_21] : memref<10112x128xf32, #tpu.memory_space<vmem>>, vector<10112x128xf32>
    tpu.vector_store %arg3[%swap3A_20, %swap3A_21], %mul3A_19 {strides = array<i32>} : memref<10112x128xf32, #tpu.memory_space<vmem>>, vector<10112x128xf32>,
    return
  }
}

module attributes {stable_mosaic.version = 14 : i64} {
  func.func @_mid_body(%arg0: i32, %arg1: memref<2x2528x128xf32, #tpu.memory_space<vmem>>, %arg2: memref<2528x128xf32, #tpu.memory_space<vmem>>, %arg3: memref<2528x16xf32, #tpu.memory_space<vmem>>, %arg4: memref<128x128xf32, #tpu.memory_space<vmem>>, %arg5: memref<1x128xf32, #tpu.memory_space<vmem>>, %arg6: memref<2528x128xf32, #tpu.memory_space<vmem>>, %arg7: memref<2528x128xf32, #tpu.memory_space<vmem>>) attributes {dimension_semantics = [#tpu.dimension_semantics<arbitrary>], iteration_bounds = array<i64: 4>, scalar_prefetch = 0 : i64, scratch_operands = 0 : i64, tpu.core_type = #tpu.core_type<tc>, window_params = [{transform_indices = @transform_0, window_bounds = array<i64: 2, 2528, 128>}, {transform_indices = @transform_1, window_bounds = array<i64: 2528, 128>}, {transform_indices = @transform_2, window_bounds = array<i64: 2528, 16>}, {pipeline_mode = #tpu.pipeline_mode<synchronous>, transform_indices = @transform_3, window_bounds = array<i64: 128, 128>}, {pipeline_mode = #tpu.pipeline_mode<synchronous>, transform_indices = @transform_4, window_bounds = array<i64: 1, 128>}, {transform_indices = @transform_5, window_bounds = array<i64: 2528, 128>}, {transform_indices = @transform_6, window_bounds = array<i64: 2528, 128>}]} {
    %get3A = arith.constant 0 : index
    %get3A_0 = arith.constant 0 : index
    %get3A_1 = vector.load %arg3[%get3A, %get3A_0] : memref<2528x16xf32, #tpu.memory_space<vmem>>, vector<2528x16xf32>
    %slice3A = vector.extract_strided_slice %get3A_1 {offsets = [0, 0], sizes = [2528, 1], strides = [1, 1]} : vector<2528x16xf32> to vector<2528x1xf32>
    %get3A_2 = arith.constant 0 : index
    %get3A_3 = arith.constant 0 : index
    %get3A_4 = arith.constant 0 : index
    %get3A_5 = vector.load %arg1[%get3A_2, %get3A_3, %get3A_4] : memref<2x2528x128xf32, #tpu.memory_space<vmem>>, vector<1x2528x128xf32>
    %get3A_6 = vector.shape_cast %get3A_5 : vector<1x2528x128xf32> to vector<2528x128xf32>
    %get3A_7 = arith.constant 1 : index
    %get3A_8 = arith.constant 0 : index
    %get3A_9 = arith.constant 0 : index
    %get3A_10 = vector.load %arg1[%get3A_7, %get3A_8, %get3A_9] : memref<2x2528x128xf32, #tpu.memory_space<vmem>>, vector<1x2528x128xf32>
    %get3A_11 = vector.shape_cast %get3A_10 : vector<1x2528x128xf32> to vector<2528x128xf32>
    %add3A = arith.addf %get3A_6, %get3A_11 : vector<2528x128xf32>
    %mul3A = vector.broadcast %slice3A : vector<2528x1xf32> to vector<2528x128xf32>
    %mul3A_12 = arith.mulf %mul3A, %add3A : vector<2528x128xf32>
    %mul3A_13 = arith.mulf %slice3A, %slice3A : vector<2528x1xf32>
    %get3A_14 = arith.constant 0 : index
    %get3A_15 = arith.constant 0 : index
    %get3A_16 = vector.load %arg2[%get3A_14, %get3A_15] : memref<2528x128xf32, #tpu.memory_space<vmem>>, vector<2528x128xf32>
    %mul3A_17 = vector.broadcast %mul3A_13 : vector<2528x1xf32> to vector<2528x128xf32>
    %mul3A_18 = arith.mulf %mul3A_17, %get3A_16 : vector<2528x128xf32>
    %add3A_19 = arith.addf %mul3A_12, %mul3A_18 : vector<2528x128xf32>
    %get3A_20 = arith.constant 0 : index
    %get3A_21 = arith.constant 0 : index
    %get3A_22 = vector.load %arg5[%get3A_20, %get3A_21] : memref<1x128xf32, #tpu.memory_space<vmem>>, vector<1x128xf32>
    %add3A_23 = vector.broadcast %get3A_22 : vector<1x128xf32> to vector<2528x128xf32>
    %add3A_24 = arith.addf %add3A_19, %add3A_23 : vector<2528x128xf32>
    %max3A = arith.constant 0.000000e+00 : f32
    %max3A_25 = vector.broadcast %max3A : f32 to vector<2528x128xf32>
    %max3A_26 = arith.maximumf %add3A_24, %max3A_25 : vector<2528x128xf32>
    %get3A_27 = arith.constant 0 : index
    %get3A_28 = arith.constant 0 : index
    %get3A_29 = vector.load %arg4[%get3A_27, %get3A_28] : memref<128x128xf32, #tpu.memory_space<vmem>>, vector<128x128xf32>
    %dot_general3A = arith.constant dense<0.000000e+00> : vector<2528x128xf32>
    %dot_general3A_30 = tpu.matmul %max3A_26, %get3A_29, %dot_general3A {dimension_numbers = #tpu.dot_dimension_numbers<[1], [0], [0], [1], [0, 0, 1, 1], [], []>, transpose_lhs_hint = false} : vector<2528x128xf32>, vector<128x128xf32>, vector<2528x128xf32> -> vector<2528x128xf32>
    %swap3A = arith.constant 0 : index
    %swap3A_31 = arith.constant 0 : index
    %swap3A_32 = vector.load %arg6[%swap3A, %swap3A_31] : memref<2528x128xf32, #tpu.memory_space<vmem>>, vector<2528x128xf32>
    tpu.vector_store %arg6[%swap3A, %swap3A_31], %dot_general3A_30 {strides = array<i32>} : memref<2528x128xf32, #tpu.memory_space<vmem>>, vector<2528x128xf32>,
    %mul3A_33 = vector.broadcast %slice3A : vector<2528x1xf32> to vector<2528x128xf32>
    %mul3A_34 = arith.mulf %mul3A_33, %dot_general3A_30 : vector<2528x128xf32>
    %swap3A_35 = arith.constant 0 : index
    %swap3A_36 = arith.constant 0 : index
    %swap3A_37 = vector.load %arg7[%swap3A_35, %swap3A_36] : memref<2528x128xf32, #tpu.memory_space<vmem>>, vector<2528x128xf32>
    tpu.vector_store %arg7[%swap3A_35, %swap3A_36], %mul3A_34 {strides = array<i32>} : memref<2528x128xf32, #tpu.memory_space<vmem>>, vector<2528x128xf32>,
    return
  }
  func.func @transform_0(%arg0: i32) -> (i32, i32, i32) {
    %c0_i32 = arith.constant 0 : i32
    %c0_i32_0 = arith.constant 0 : i32
    %c0_i32_1 = arith.constant 0 : i32
    return %c0_i32, %arg0, %c0_i32_0 : i32, i32, i32
  }
  func.func @transform_1(%arg0: i32) -> (i32, i32) {
    %c0_i32 = arith.constant 0 : i32
    %c0_i32_0 = arith.constant 0 : i32
    return %arg0, %c0_i32 : i32, i32
  }
  func.func @transform_2(%arg0: i32) -> (i32, i32) {
    %c0_i32 = arith.constant 0 : i32
    %c0_i32_0 = arith.constant 0 : i32
    return %arg0, %c0_i32 : i32, i32
  }
  func.func @transform_3(%arg0: i32) -> (i32, i32) {
    %c0_i32 = arith.constant 0 : i32
    %c0_i32_0 = arith.constant 0 : i32
    %c0_i32_1 = arith.constant 0 : i32
    return %c0_i32, %c0_i32_0 : i32, i32
  }
  func.func @transform_4(%arg0: i32) -> (i32, i32) {
    %c0_i32 = arith.constant 0 : i32
    %c0_i32_0 = arith.constant 0 : i32
    %c0_i32_1 = arith.constant 0 : i32
    return %c0_i32, %c0_i32_0 : i32, i32
  }
  func.func @transform_5(%arg0: i32) -> (i32, i32) {
    %c0_i32 = arith.constant 0 : i32
    %c0_i32_0 = arith.constant 0 : i32
    return %arg0, %c0_i32 : i32, i32
  }
  func.func @transform_6(%arg0: i32) -> (i32, i32) {
    %c0_i32 = arith.constant 0 : i32
    %c0_i32_0 = arith.constant 0 : i32
    return %arg0, %c0_i32 : i32, i32
  }
}

module attributes {stable_mosaic.version = 14 : i64} {
  func.func @_final_body(%arg0: i32, %arg1: memref<2x2528x128xf32, #tpu.memory_space<vmem>>, %arg2: memref<2528x128xf32, #tpu.memory_space<vmem>>, %arg3: memref<2528x16xf32, #tpu.memory_space<vmem>>, %arg4: memref<1x128xf32, #tpu.memory_space<vmem>>, %arg5: memref<2528x1xi32, #tpu.memory_space<vmem>>, %arg6: memref<128x64xf32, #tpu.memory_space<vmem>>, %arg7: memref<1x64xf32, #tpu.memory_space<vmem>>, %arg8: memref<16x64xf32, #tpu.memory_space<vmem>>, %arg9: memref<16x128xf32, #tpu.memory_space<vmem>>, %arg10: memref<16x128xf32, #tpu.memory_space<vmem>>) attributes {dimension_semantics = [#tpu.dimension_semantics<arbitrary>], iteration_bounds = array<i64: 4>, scalar_prefetch = 0 : i64, scratch_operands = 2 : i64, tpu.core_type = #tpu.core_type<tc>, window_params = [{transform_indices = @transform_0, window_bounds = array<i64: 2, 2528, 128>}, {transform_indices = @transform_1, window_bounds = array<i64: 2528, 128>}, {transform_indices = @transform_2, window_bounds = array<i64: 2528, 16>}, {pipeline_mode = #tpu.pipeline_mode<synchronous>, transform_indices = @transform_3, window_bounds = array<i64: 1, 128>}, {transform_indices = @transform_4, window_bounds = array<i64: 2528, 1>}, {pipeline_mode = #tpu.pipeline_mode<synchronous>, transform_indices = @transform_5, window_bounds = array<i64: 128, 64>}, {pipeline_mode = #tpu.pipeline_mode<synchronous>, transform_indices = @transform_6, window_bounds = array<i64: 1, 64>}, {pipeline_mode = #tpu.pipeline_mode<synchronous>, transform_indices = @transform_7, window_bounds = array<i64: 16, 64>}]} {
    %eq3A = arith.constant 0 : i32
    %eq3A_0 = arith.cmpi eq, %arg0, %eq3A : i32
    %convert_element_type3A = arith.extui %eq3A_0 : i1 to i32
    %cond3A = arith.constant 0 : i32
    %cond3A_1 = arith.cmpi ne, %convert_element_type3A, %cond3A : i32
    scf.if %cond3A_1 {
      %broadcast_in_dim3A_57 = arith.constant 0.000000e+00 : f32
      %broadcast_in_dim3A_58 = vector.broadcast %broadcast_in_dim3A_57 : f32 to vector<16x128xf32>
      %swap3A_59 = arith.constant 0 : index
      %swap3A_60 = arith.constant 0 : index
      %swap3A_61 = vector.load %arg9[%swap3A_59, %swap3A_60] : memref<16x128xf32, #tpu.memory_space<vmem>>, vector<16x128xf32>
      tpu.vector_store %arg9[%swap3A_59, %swap3A_60], %broadcast_in_dim3A_58 {strides = array<i32>} : memref<16x128xf32, #tpu.memory_space<vmem>>, vector<16x128xf32>,
      %broadcast_in_dim3A_62 = arith.constant 0.000000e+00 : f32
      %broadcast_in_dim3A_63 = vector.broadcast %broadcast_in_dim3A_62 : f32 to vector<16x128xf32>
      %swap3A_64 = arith.constant 0 : index
      %swap3A_65 = arith.constant 0 : index
      %swap3A_66 = vector.load %arg10[%swap3A_64, %swap3A_65] : memref<16x128xf32, #tpu.memory_space<vmem>>, vector<16x128xf32>
      tpu.vector_store %arg10[%swap3A_64, %swap3A_65], %broadcast_in_dim3A_63 {strides = array<i32>} : memref<16x128xf32, #tpu.memory_space<vmem>>, vector<16x128xf32>,
    } else {
    }
    %get3A = arith.constant 0 : index
    %get3A_2 = arith.constant 0 : index
    %get3A_3 = vector.load %arg3[%get3A, %get3A_2] : memref<2528x16xf32, #tpu.memory_space<vmem>>, vector<2528x16xf32>
    %slice3A = vector.extract_strided_slice %get3A_3 {offsets = [0, 0], sizes = [2528, 1], strides = [1, 1]} : vector<2528x16xf32> to vector<2528x1xf32>
    %get3A_4 = arith.constant 0 : index
    %get3A_5 = arith.constant 0 : index
    %get3A_6 = arith.constant 0 : index
    %get3A_7 = vector.load %arg1[%get3A_4, %get3A_5, %get3A_6] : memref<2x2528x128xf32, #tpu.memory_space<vmem>>, vector<1x2528x128xf32>
    %get3A_8 = vector.shape_cast %get3A_7 : vector<1x2528x128xf32> to vector<2528x128xf32>
    %get3A_9 = arith.constant 1 : index
    %get3A_10 = arith.constant 0 : index
    %get3A_11 = arith.constant 0 : index
    %get3A_12 = vector.load %arg1[%get3A_9, %get3A_10, %get3A_11] : memref<2x2528x128xf32, #tpu.memory_space<vmem>>, vector<1x2528x128xf32>
    %get3A_13 = vector.shape_cast %get3A_12 : vector<1x2528x128xf32> to vector<2528x128xf32>
    %add3A = arith.addf %get3A_8, %get3A_13 : vector<2528x128xf32>
    %mul3A = vector.broadcast %slice3A : vector<2528x1xf32> to vector<2528x128xf32>
    %mul3A_14 = arith.mulf %mul3A, %add3A : vector<2528x128xf32>
    %mul3A_15 = arith.mulf %slice3A, %slice3A : vector<2528x1xf32>
    %get3A_16 = arith.constant 0 : index
    %get3A_17 = arith.constant 0 : index
    %get3A_18 = vector.load %arg2[%get3A_16, %get3A_17] : memref<2528x128xf32, #tpu.memory_space<vmem>>, vector<2528x128xf32>
    %mul3A_19 = vector.broadcast %mul3A_15 : vector<2528x1xf32> to vector<2528x128xf32>
    %mul3A_20 = arith.mulf %mul3A_19, %get3A_18 : vector<2528x128xf32>
    %add3A_21 = arith.addf %mul3A_14, %mul3A_20 : vector<2528x128xf32>
    %get3A_22 = arith.constant 0 : index
    %get3A_23 = arith.constant 0 : index
    %get3A_24 = vector.load %arg4[%get3A_22, %get3A_23] : memref<1x128xf32, #tpu.memory_space<vmem>>, vector<1x128xf32>
    %add3A_25 = vector.broadcast %get3A_24 : vector<1x128xf32> to vector<2528x128xf32>
    %add3A_26 = arith.addf %add3A_21, %add3A_25 : vector<2528x128xf32>
    %get3A_27 = arith.constant 0 : index
    %get3A_28 = arith.constant 0 : index
    %get3A_29 = vector.load %arg5[%get3A_27, %get3A_28] : memref<2528x1xi32, #tpu.memory_space<vmem>>, vector<2528x1xi32>
    %iota3A = tpu.iota {dimensions = array<i32: 1>} : vector<1x16xi32>
    %eq3A_30 = vector.broadcast %get3A_29 : vector<2528x1xi32> to vector<2528x16xi32>
    %eq3A_31 = vector.broadcast %iota3A : vector<1x16xi32> to vector<2528x16xi32>
    %eq3A_32 = arith.cmpi eq, %eq3A_30, %eq3A_31 : vector<2528x16xi32>
    %convert_element_type3A_33 = arith.extui %eq3A_32 : vector<2528x16xi1> to vector<2528x16xi32>
    %convert_element_type3A_34 = arith.sitofp %convert_element_type3A_33 : vector<2528x16xi32> to vector<2528x16xf32>
    %get3A_35 = arith.constant 0 : index
    %get3A_36 = arith.constant 0 : index
    %get3A_37 = vector.load %arg9[%get3A_35, %get3A_36] : memref<16x128xf32, #tpu.memory_space<vmem>>, vector<16x128xf32>
    %dot_general3A = arith.constant dense<0.000000e+00> : vector<16x128xf32>
    %dot_general3A_38 = tpu.matmul %convert_element_type3A_34, %add3A_26, %dot_general3A {dimension_numbers = #tpu.dot_dimension_numbers<[0], [0], [1], [1], [0, 1, 1, 1], [], []>, transpose_lhs_hint = false} : vector<2528x16xf32>, vector<2528x128xf32>, vector<16x128xf32> -> vector<16x128xf32>
    %add3A_39 = arith.addf %get3A_37, %dot_general3A_38 : vector<16x128xf32>
    %swap3A = arith.constant 0 : index
    %swap3A_40 = arith.constant 0 : index
    %swap3A_41 = vector.load %arg9[%swap3A, %swap3A_40] : memref<16x128xf32, #tpu.memory_space<vmem>>, vector<16x128xf32>
    tpu.vector_store %arg9[%swap3A, %swap3A_40], %add3A_39 {strides = array<i32>} : memref<16x128xf32, #tpu.memory_space<vmem>>, vector<16x128xf32>,
    %get3A_42 = arith.constant 0 : index
    %get3A_43 = arith.constant 0 : index
    %get3A_44 = vector.load %arg10[%get3A_42, %get3A_43] : memref<16x128xf32, #tpu.memory_space<vmem>>, vector<16x128xf32>
    %broadcast_in_dim3A = arith.constant 1.000000e+00 : f32
    %broadcast_in_dim3A_45 = vector.broadcast %broadcast_in_dim3A : f32 to vector<2528x128xf32>
    %dot_general3A_46 = arith.constant dense<0.000000e+00> : vector<16x128xf32>
    %dot_general3A_47 = tpu.matmul %convert_element_type3A_34, %broadcast_in_dim3A_45, %dot_general3A_46 {dimension_numbers = #tpu.dot_dimension_numbers<[0], [0], [1], [1], [0, 1, 1, 1], [], []>, transpose_lhs_hint = false} : vector<2528x16xf32>, vector<2528x128xf32>, vector<16x128xf32> -> vector<16x128xf32>
    %add3A_48 = arith.addf %get3A_44, %dot_general3A_47 : vector<16x128xf32>
    %swap3A_49 = arith.constant 0 : index
    %swap3A_50 = arith.constant 0 : index
    %swap3A_51 = vector.load %arg10[%swap3A_49, %swap3A_50] : memref<16x128xf32, #tpu.memory_space<vmem>>, vector<16x128xf32>
    tpu.vector_store %arg10[%swap3A_49, %swap3A_50], %add3A_48 {strides = array<i32>} : memref<16x128xf32, #tpu.memory_space<vmem>>, vector<16x128xf32>,
    %eq3A_52 = arith.constant 3 : i32
    %eq3A_53 = arith.cmpi eq, %arg0, %eq3A_52 : i32
    %convert_element_type3A_54 = arith.extui %eq3A_53 : i1 to i32
    %cond3A_55 = arith.constant 0 : i32
    %cond3A_56 = arith.cmpi ne, %convert_element_type3A_54, %cond3A_55 : i32
    scf.if %cond3A_56 {
      %get3A_57 = arith.constant 0 : index
      %get3A_58 = arith.constant 0 : index
      %get3A_59 = vector.load %arg9[%get3A_57, %get3A_58] : memref<16x128xf32, #tpu.memory_space<vmem>>, vector<16x128xf32>
      %get3A_60 = arith.constant 0 : index
      %get3A_61 = arith.constant 0 : index
      %get3A_62 = vector.load %arg10[%get3A_60, %get3A_61] : memref<16x128xf32, #tpu.memory_space<vmem>>, vector<16x128xf32>
      %max3A = arith.constant 1.000000e+00 : f32
      %max3A_63 = vector.broadcast %max3A : f32 to vector<16x128xf32>
      %max3A_64 = arith.maximumf %get3A_62, %max3A_63 : vector<16x128xf32>
      %div3A = arith.divf %get3A_59, %max3A_64 : vector<16x128xf32>
      %get3A_65 = arith.constant 0 : index
      %get3A_66 = arith.constant 0 : index
      %get3A_67 = vector.load %arg6[%get3A_65, %get3A_66] : memref<128x64xf32, #tpu.memory_space<vmem>>, vector<128x64xf32>
      %dot_general3A_68 = arith.constant dense<0.000000e+00> : vector<16x64xf32>
      %dot_general3A_69 = tpu.matmul %div3A, %get3A_67, %dot_general3A_68 {dimension_numbers = #tpu.dot_dimension_numbers<[1], [0], [0], [1], [0, 0, 1, 1], [], []>, transpose_lhs_hint = false} : vector<16x128xf32>, vector<128x64xf32>, vector<16x64xf32> -> vector<16x64xf32>
      %get3A_70 = arith.constant 0 : index
      %get3A_71 = arith.constant 0 : index
      %get3A_72 = vector.load %arg7[%get3A_70, %get3A_71] : memref<1x64xf32, #tpu.memory_space<vmem>>, vector<1x64xf32>
      %add3A_73 = vector.broadcast %get3A_72 : vector<1x64xf32> to vector<16x64xf32>
      %add3A_74 = arith.addf %dot_general3A_69, %add3A_73 : vector<16x64xf32>
      %swap3A_75 = arith.constant 0 : index
      %swap3A_76 = arith.constant 0 : index
      %swap3A_77 = vector.load %arg8[%swap3A_75, %swap3A_76] : memref<16x64xf32, #tpu.memory_space<vmem>>, vector<16x64xf32>
      tpu.vector_store %arg8[%swap3A_75, %swap3A_76], %add3A_74 {strides = array<i32>} : memref<16x64xf32, #tpu.memory_space<vmem>>, vector<16x64xf32>,
    } else {
    }
    return
  }
  func.func @transform_0(%arg0: i32) -> (i32, i32, i32) {
    %c0_i32 = arith.constant 0 : i32
    %c0_i32_0 = arith.constant 0 : i32
    %c0_i32_1 = arith.constant 0 : i32
    return %c0_i32, %arg0, %c0_i32_0 : i32, i32, i32
  }
  func.func @transform_1(%arg0: i32) -> (i32, i32) {
    %c0_i32 = arith.constant 0 : i32
    %c0_i32_0 = arith.constant 0 : i32
    return %arg0, %c0_i32 : i32, i32
  }
  func.func @transform_2(%arg0: i32) -> (i32, i32) {
    %c0_i32 = arith.constant 0 : i32
    %c0_i32_0 = arith.constant 0 : i32
    return %arg0, %c0_i32 : i32, i32
  }
  func.func @transform_3(%arg0: i32) -> (i32, i32) {
    %c0_i32 = arith.constant 0 : i32
    %c0_i32_0 = arith.constant 0 : i32
    %c0_i32_1 = arith.constant 0 : i32
    return %c0_i32, %c0_i32_0 : i32, i32
  }
  func.func @transform_4(%arg0: i32) -> (i32, i32) {
    %c0_i32 = arith.constant 0 : i32
    %c0_i32_0 = arith.constant 0 : i32
    return %arg0, %c0_i32 : i32, i32
  }
  func.func @transform_5(%arg0: i32) -> (i32, i32) {
    %c0_i32 = arith.constant 0 : i32
    %c0_i32_0 = arith.constant 0 : i32
    %c0_i32_1 = arith.constant 0 : i32
    return %c0_i32, %c0_i32_0 : i32, i32
  }
  func.func @transform_6(%arg0: i32) -> (i32, i32) {
    %c0_i32 = arith.constant 0 : i32
    %c0_i32_0 = arith.constant 0 : i32
    %c0_i32_1 = arith.constant 0 : i32
    return %c0_i32, %c0_i32_0 : i32, i32
  }
  func.func @transform_7(%arg0: i32) -> (i32, i32) {
    %c0_i32 = arith.constant 0 : i32
    %c0_i32_0 = arith.constant 0 : i32
    %c0_i32_1 = arith.constant 0 : i32
    return %c0_i32, %c0_i32_0 : i32, i32
  }
}

</mosaic_0001>

<sc_bundles>
// kernel: kernel.12.cloned.1.call-start
scs
__scs_entry_jumppad:
0x0: {  	(pc) =	sbr.rel $0x88, $3  }
0x1: {  	(tag) =	ssettag $0x0;
	lr =	simm.s32 $0x1  }
0x2: {  	[smem:$0x3F98] =	sst lr;
	_ =	strace $0xD0000000  }
0x3: {  	_ = 	snop  }
0x4: {  	_ = 	snop  }
0x5: {  	_ = 	snop  }
0x6: {  	_ = 	snop  }
0x7: {  	_ = 	snop  }
__scs_overlays_trampoline_lowered:
0x8: {  	[smem:$0x3FA7] =	sst s0  }
0x9: {  	[smem:$0x3FA8] =	sst s1  }
0xa: {  	[smem:$0x3FA9] =	sst s2  }
0xb: {  	[smem:$0x3FAA] =	sst s3  }
0xc: {  	[smem:$0x3FAB] =	sst s4  }
0xd: {  	[smem:$0x3FAC] =	sst s5  }
0xe: {  	[smem:$0x3FAD] =	sst s6  }
0xf: {  	[smem:$0x3FAE] =	sst s7  }
0x10: {  	[smem:$0x3FAF] =	sst s8  }
0x11: {  	[smem:$0x3FB0] =	sst s9;
	s0 =	simm.s32 @!p0 $0x0  }
0x12: {  	s1 =	sld [smem:$0x3F96];
	s0 =	simm.s32 @p0 $0x1  }
0x13: {  	[smem:$0x3FB1] =	sst s0;
	s0 =	simm.s32 @!p1 $0x0  }
0x14: {  	s2 =	sld [smem:$0x3F95];
	s0 =	simm.s32 @p1 $0x1  }
0x15: {  	[smem:$0x3FB2] =	sst s0;
	s0 =	simm.s32 @!p2 $0x0  }
0x16: {  	s3 =	sld [smem:$0x3FDB];
	s0 =	simm.s32 @p2 $0x1  }
0x17: {  	s4 =	simm.s32 $0x1BF5;
	[smem:$0x3FB4] =	sst s0  }
0x18: {  	s0 =	sld [smem:$0x3F97];
	_ =	swait.ge [sflag:s4], $0x0  }
0x19: {  	s7 =	sld [smem:$0x3F98]  }
0x1a: {  	s8 =	sadd.s32 $0xFFFFE003, lr  }
0x1b: {  	s9 =	sadd.s32 $0xFFFFFEF7, lr;
	s5 =	simm.s32 $0xFFFFFFFF;
	p2 =	slt.u32 s8, $0xFFFFF086  }
0x1c: {  	p1 =	slt.u32 s9, $0xF7A;
	s5 =	simm.s32 @!p2 $0x0  }
0x1d: {  	s5 =	simm.s32 @p1 $0x1;
	p0 =	seq.s32 s7, s2  }
0x1e: {  	s7 =	smul.u32 @!p0 $0xF7A, s2;
	p2 =	seq.s32 @!p0 s5, $0x0  }
0x1f: {  	s9 =	smul.u32 $0xF7A, s1;
	s8 =	simm.s32 @!p0 $0x1BF5;
	p2 =	por !p2, p0  }
0x20: {  	[sflag:s8] =	ssyncset.s32 @!p0 $0xFFFFF086;
	s6 =	sadd.s32 @!p0 s3, s7;
	s7 =	simm.s32 @!p0 $0x108  }
0x21: {  	s3 =	sadd.s32 s3, s9;
	s6 =	sadd.s32 @!p0 $0x88, s6;
	s7 =	simm.s32 @p2 $0x1082  }
0x22: {  	[simem:s7], [sflag:s8] =	dma.local @!p0 [hbm:s6], $0xF7A  }
0x23: {  	s9 =	sor.u32 $0xD0000000, s2;
	s6 =	simm.s32 $0x108;
	_ =	swait.ge @!p0 [sflag:s8], $0x0  }
0x24: {  	s3 =	sadd.s32 $0x88, s3;
	s6 =	simm.s32 @!p1 $0x1082;
	[sflag:s4] =	ssyncset.s32 $0xFFFFF086  }
0x25: {  	[simem:s6], [sflag:s4] =	dma.local [hbm:s3], $0xF7A  }
0x26: {  	[smem:$0x3F98] =	sst s1;
	(tag) =	ssettag s2;
	_ =	strace s9  }
0x27: {  	s1 =	sld [smem:$0x3FA8]  }
0x28: {  	s2 =	sld [smem:$0x3FA9]  }
0x29: {  	s4 =	sld [smem:$0x3FAB]  }
0x2a: {  	p0 =	seq.s32 s5, $0x0;
	s5 =	sld [smem:$0x3FAC]  }
0x2b: {  	s6 =	sld [smem:$0x3FAD]  }
0x2c: {  	s7 =	sld [smem:$0x3FAE]  }
0x2d: {  	s3 =	simm.s32 $0x108;
	s8 =	sld [smem:$0x3FAF]  }
0x2e: {  	s3 =	simm.s32 @!p0 $0x1082;
	s9 =	sld [smem:$0x3FB0]  }
0x2f: {  	lr =	sadd.s32 s0, s3;
	s0 =	sld [smem:$0x3FA7]  }
0x30: {  	s3 =	sld [smem:$0x3FAA]  }
0x31: {  	[smem:$0x3FB3] =	sst s10  }
0x32: {  	s10 =	sld [smem:$0x3FB1];
	_ =	sdelay $0x3  }
0x33: {  	p0 =	seq.s32 s10, $0x1;
	s10 =	sld [smem:$0x3FB3];
	_ =	sdelay $0x3  }
0x34: {  	[smem:$0x3FB3] =	sst s10  }
0x35: {  	s10 =	sld [smem:$0x3FB2];
	_ =	sdelay $0x3  }
0x36: {  	p1 =	seq.s32 s10, $0x1;
	s10 =	sld [smem:$0x3FB3];
	_ =	sdelay $0x3  }
0x37: {  	[smem:$0x3FB3] =	sst s10  }
0x38: {  	s10 =	sld [smem:$0x3FB4]  }
0x39: {  	_ = 	snop;
	(pc) =	sbr.ind lr, $3  }
0x3a: {  	_ = 	snop  }
0x3b: {  	_ = 	snop  }
0x3c: {  	p2 =	seq.s32 s10, $0x1;
	s10 =	sld [smem:$0x3FB3]  }
0x3d: {  	_ =	shalt  }
0x3e: {  	_ =	shalt  }
0x3f: {  	_ =	shalt  }
0x40: {  	_ =	shalt  }
0x41: {  	_ =	shalt  }
0x42: {  	_ =	shalt  }
0x43: {  	_ =	shalt  }
0x44: {  	_ =	shalt  }
0x45: {  	_ =	shalt  }
0x46: {  	_ =	shalt  }
0x47: {  	_ =	shalt  }
0x48: {  	_ =	shalt  }
0x49: {  	_ =	shalt  }
0x4a: {  	_ =	shalt  }
0x4b: {  	_ =	shalt  }
0x4c: {  	_ =	shalt  }
0x4d: {  	_ =	shalt  }
0x4e: {  	_ =	shalt  }
0x4f: {  	_ =	shalt  }
0x50: {  	_ =	shalt  }
0x51: {  	_ =	shalt  }
0x52: {  	_ =	shalt  }
0x53: {  	_ =	shalt  }
0x54: {  	_ =	shalt  }
0x55: {  	_ =	shalt  }
0x56: {  	_ =	shalt  }
0x57: {  	_ =	shalt  }
0x58: {  	_ =	shalt  }
0x59: {  	_ =	shalt  }
0x5a: {  	_ =	shalt  }
0x5b: {  	_ =	shalt  }
0x5c: {  	_ =	shalt  }
0x5d: {  	_ =	shalt  }
0x5e: {  	_ =	shalt  }
0x5f: {  	_ =	shalt  }
0x60: {  	_ =	shalt  }
0x61: {  	_ =	shalt  }
0x62: {  	_ =	shalt  }
0x63: {  	_ =	shalt  }
0x64: {  	_ =	shalt  }
0x65: {  	_ =	shalt  }
0x66: {  	_ =	shalt  }
0x67: {  	_ =	shalt  }
0x68: {  	_ =	shalt  }
0x69: {  	_ =	shalt  }
0x6a: {  	_ =	shalt  }
0x6b: {  	_ =	shalt  }
0x6c: {  	_ =	shalt  }
0x6d: {  	_ =	shalt  }
0x6e: {  	_ =	shalt  }
0x6f: {  	_ =	shalt  }
0x70: {  	_ =	shalt  }
0x71: {  	_ =	shalt  }
0x72: {  	_ =	shalt  }
0x73: {  	_ =	shalt  }
0x74: {  	_ =	shalt  }
0x75: {  	_ =	shalt  }
0x76: {  	_ =	shalt  }
0x77: {  	_ =	shalt  }
0x78: {  	_ =	shalt  }
0x79: {  	_ =	shalt  }
0x7a: {  	_ =	shalt  }
0x7b: {  	_ =	shalt  }
0x7c: {  	_ =	shalt  }
0x7d: {  	_ =	shalt  }
0x7e: {  	_ =	shalt  }
0x7f: {  	_ =	shalt  }
0x80: {  	_ =	shalt  }
0x81: {  	_ =	shalt  }
0x82: {  	_ =	shalt  }
0x83: {  	_ =	shalt  }
0x84: {  	_ =	shalt  }
0x85: {  	_ =	shalt  }
0x86: {  	_ =	shalt  }
0x87: {  	_ =	shalt  }
.Lfunc_end0:
.L_simem_size_0:
called_computation.1_lowered:
.L_overlay_start_0:
0x88: {  	s2 =	sld [smem:$0x3FD9]  }
0x89: {  	s3 =	sld [smem:$0x3FFE];
	_ =	sdelay $0x1  }
0x8a: {  	s1 =	srdreg.scid  }
0x8b: {  	s0 =	sand.u32 $0x1, s1  }
0x8c: {  	s16 =	sshll.u32 s0, $0xA;
	s2 =	sadd.s32 s3, s2  }
0x8d: {  	s2 =	sadd.s32 s2, s16  }
0x8e: {  	[smem:$0x3FBF] =	sst s2  }
0x8f: {  	_ = 	snop  }
0x90: {  	(tm) =	ssettm $0x1  }
0x91: {  	s17 =	sld [smem:$0x3FFB];
	_ =	sdelay $0x3  }
0x92: {  	_ =	strace s17  }
0x93: {  	s2 =	sld [smem:$0x3FFC];
	_ =	sdelay $0x3  }
0x94: {  	_ =	strace s2  }
0x95: {  	s2 =	sld [smem:$0x3FFD];
	_ =	sdelay $0x3  }
0x96: {  	_ =	strace s2  }
0x97: {  	_ =	strace $0x8FFFFFFF  }
0x98: {  	s18 =	sld [smem:$0x3FDB];
	_ =	sdelay $0x1  }
0x99: {  	s19 =	simm.s32 $_scs_section_size  }
0x9a: {  	s4 =	simm.s32 $_size__tile_overlayer_lowered;
	s5 =	simm.s32 $_tile_overlayer_lowered  }
0x9b: {  	s22 =	simm.s32 $0x1BFF;
	s21 =	sshll.u32 s5, $0x1;
	s2 =	sadd.s32 s19, s18  }
0x9c: {  	s6 =	simm.s32 $0x0;
	s20 =	sshll.u32 s4, $0x1;
	s4 =	sadd.s32 s21, s2  }
0x9d: {  	[timem:s6], [sflag:s22] =	dma.local [hbm:s4], s20  }
0x9e: {  	_ =	swait.ge [sflag:s22], s20  }
0x9f: {  	s3 =	ssub.s32 $0x0, s20;
	[sflag:s22] =	ssyncset.done $0x0  }
0xa0: {  	[sflag:s22] =	ssyncadd.s32 s3;
	_ =	sdelay $0x1  }
0xa1: {  	s23 =	simm.s32 $0x1B8B  }
0xa2: {  	_ =	swait.ge [sflag:s23], $0x1  }
0xa3: {  	[sflag:s23] =	ssyncset.done $0x0  }
0xa4: {  	s25 =	simm.s32 $0x1B8E;
	s24 =	sld [smem:$0x3FFE];
	[sflag:s23] =	ssyncadd.s32 $0xFFFFFFFF  }
0xa5: {  	s26 =	simm.s32 $execute0_lowered;
	[smem:$0x3FD2] =	sst s25  }
0xa6: {  	s4 =	sshll.u32 s26, $0x1;
	_ =	strace $0x80000049;
	[dreg:$0x1] =	wrdreg $0xFFFFFFFF  }
0xa7: {  	s28 =	simm.s32 $_size_execute0_lowered;
	s2 =	sadd.s32 s2, s4;
	[dreg:$0x0] =	wrdreg $0x0  }
0xa8: {  	s4 =	sshll.u32 s28, $0x1;
	[dreg:$0x2] =	wrdreg s2  }
0xa9: {  	[dreg:$0x3] =	wrdreg s4  }
0xaa: {  	[dreg:$0x4] =	wrdreg $0xC0  }
0xab: {  	_ =	task [dreg:s6], $0x5FFFF  }
0xac: {  	[dreg:$0x1] =	wrdreg $0xFFFFFFFF  }
0xad: {  	[dreg:$0x0] =	wrdreg $0x60  }
0xae: {  	[dreg:$0x2] =	wrdreg s24  }
0xaf: {  	[dreg:$0x3] =	wrdreg $0xC0000  }
0xb0: {  	[dreg:$0x4] =	wrdreg $0x9  }
0xb1: {  	_ =	task.clear_ibuf [dreg:s6], $0x5FFFF;
	_ =	strace $0x90000049  }
0xb2: {  	s29 =	simm.s32 $0x9;
	_ =	strace $0x8000004B  }
0xb3: {  	_ =	swait.ge [sflag:s29], $0x1  }
0xb4: {  	[sflag:s29] =	ssyncadd.s32 $0xFFFFFFFF  }
0xb5: {  	_ =	strace $0x9000004B  }
0xb6: {  	_ =	sfence  }
0xb7: {  	s30 =	sld [smem:$0x0];
	_ =	sdelay $0x2  }
0xb8: {  	s31 =	sshll.u32 s1, $0xD;
	s1 =	sshrl.u32 s1, $0x2  }
0xb9: {  	s3 =	sand.u32 $0x4000, s31;
	s1 =	sadd.s32 s1, s30  }
0xba: {  	s0 =	sor.u32 s3, s0;
	s1 =	sshll.u32 s1, $0x11  }
0xbb: {  	s0 =	sor.u32 s1, s0  }
0xbc: {  	s0 =	sadd.s32 $0x8F2B, s0  }
0xbd: {  	[sflag:s0] =	ssyncadd.remote.s32 $0x1  }
0xbe: {  	_ =	sfence.sel $0xFFFF  }
0xbf: {  	[dreg:$0x0] =	wrdreg $0xFFFFFFFF;
	(pc) =	sbr.abs _section_cstart, $3  }
0xc0: {  	[dreg:$0x1] =	wrdreg $0xFFFFFFFF  }
0xc1: {  	_ =	task.clear_ibuf [dreg:s6], $0x2FFFF;
	_ =	strace $0x9FFFFFFF  }
0xc2: {  	(tm) =	ssettm $0x7FFFFFFF  }
0xc3: {  	_ =	shalt  }
tec
execute0_lowered:
.L_overlay_start_1:
0x0: {  	(tag) =	ssettag $0x1  }
0x1: {  	s5 =	rddreg [dreg:$0x0]  }
0x2: {  	s1 =	rddreg [dreg:$0x1]  }
0x3: {  	s0 =	rddreg [dreg:$0x2]  }
0x4: {  	s3 =	simm.s32 $0x0;
	s4 =	srdreg.scid;
	s2 =	stileid.u32  }
0x5: {  	s14 =	simm.s32 $0x80;
	s15 =	simm.s32 $0x8000;
	s16 =	simm.s32 $0x0  }
0x6: {  	[smem:$0x7FF] =	sst s3;
	s9 =	sand.u32 $0x1, s4;
	s7 =	smul.u32 $0x13C00, s2  }
0x7: {  	s6 =	sshll.u32 s2, $0xB;
	s11 =	smul.u32 $0x4F000, s2;
	s31 =	sshll.u32 s2, $0x6  }
0x8: {  	s4 =	sshll.u32 s9, $0xF;
	_ =	strace $0x8000004A;
	s28 =	smul.u32 $0x13C000, s9  }
0x9: {  	s29 =	ssub.s32 $0x2, s9;
	p0 =	seq.s32 s9, $0x1;
	s4 =	sor.u32 s6, s4  }
0xa: {  	s10 =	sshrl.u32 s7, $0x3;
	s12 =	sshrl.u32 s29, $0x1;
	s30 =	sshrl.u32 s11, $0x2  }
0xb: {  	s8 =	sadd.s32 s4, s5;
	s4 =	sadd.s32 $0x33400, s5;
	s6 =	sadd.s32 s7, s28  }
.Ltmp0:
0xc: {  	s10 =	sadd.s32 s10, s5;
	s12 =	ssub.s32 s29, s12;
	(pc) =	sbr.rel .LBB2_1-.Ltmp0, $4  }
0xd: {  	s11 =	sadd.s32 s30, s1;
	s6 =	sshrl.u32 s6, $0x3;
	s7 =	sadd.s32 $0x92C00, s8  }
0xe: {  	s8 =	sadd.s32 $0x82C00, s8;
	s11 =	sshrl.u32 s11, $0x3;
	s13 =	sadd.s32 s6, s5  }
0xf: {  	s5 =	sadd.s32 $0xBC00, s10;
	s6 =	sor.u32 $0x1C01, s31;
	s10 =	smax.u32 s12, $0x1  }
0x10: {  	s12 =	simm.s32 $0x1;
	s9 =	sadd.s32 $0xA2C00, s13;
	s13 =	simm.s32 $0x4000  }
.LBB2_7:
0x11: {  	s17 =	sshra.s32 s17, $0x2;
	[sflag:s12] =	ssyncadd.s32 $0xFFFFC000  }
0x12: {  	[tilespmem:s15], [sflag:$0x1] =	stream.indirect.gather [hbm4b:s4+s14], $0x80, s17, s14, $0xb8;
	[tilespmem:$0x1FC00] =	vst v63  }
0x13: {  	_ =	swait.ge [sflag:s12], $0x4000  }
0x14: {  	[sflag:s12] =	ssyncset.done $0x0  }
0x15: {  	s17 =	sadd.s32 $0x4000, s17;
	[sflag:s12] =	ssyncadd.s32 $0xFFFFC000  }
0x16: {  	[spmem:s1] =	stream.indirect.scatter.add.f32 [tilespmem:s15], [sflag:$0x1], $0x80, s17, s14, $0xb8;
	[tilespmem:$0x1FC00] =	vst v63  }
0x17: {  	_ =	swait.ge [sflag:s12], $0x4000  }
0x18: {  	[sflag:s12] =	ssyncset.done $0x0  }
0x19: {  	[sflag:s12] =	ssyncadd.s32 $0xFFFFC000  }
.LBB2_8:
0x1a: {  	s16 =	sadd.s32 $0x1, s16  }
0x1b: {  	p1 =	sne.s32 s16, s10  }
.Ltmp1:
0x1c: {  	[bflag:$0x0] =	sbarrier.arrive $0xFFFF;
	(pc) =	sbr.rel @!p1 .LBB2_9-.Ltmp1, $4  }
0x1d: {  	[hbm:s9], [sflag:s6] =	dma.local [spmem:s11], $0x2780  }
0x1e: {  	_ =	swait.ge [sflag:s12], $0x2780  }
0x1f: {  	[sflag:s12] =	ssyncset.done $0x0  }
0x20: {  	[sflag:s12] =	ssyncadd.s32 $0xFFFFD880  }
.LBB2_1:
0x21: {  	[spmem:s11], [sflag:s6] =	dma.local [hbm:s5], $0x2780  }
0x22: {  	_ =	swait.ge [sflag:s12], $0x2780  }
0x23: {  	[sflag:s12] =	ssyncset.done $0x0  }
0x24: {  	[sflag:s12] =	ssyncadd.s32 $0xFFFFD880  }
0x25: {  	[tilespmem:s3], [sflag:$0x1] =	stream.linear.gather [hbm4b:s7+s3], $0x3C80, $0x38;
	[tilespmem:$0x1FC00] =	vst v63  }
0x26: {  	_ =	swait.ge [sflag:s12], $0x3C80  }
0x27: {  	[sflag:s12] =	ssyncset.done $0x0  }
0x28: {  	[sflag:s12] =	ssyncadd.s32 $0xFFFFC380  }
0x29: {  	[tilespmem:s13], [sflag:$0x1] =	stream.linear.gather [hbm4b:s8+s3], $0x3C80, $0x38;
	[tilespmem:$0x1FC00] =	vst v63  }
.Ltmp2:
0x2a: {  	_ =	swait.ge [sflag:s12], $0x3C80;
	(pc) =	sbr.rel @!p0 .LBB2_2-.Ltmp2, $4  }
0x2b: {  	[sflag:s12] =	ssyncset.done $0x0  }
0x2c: {  	[sflag:s12] =	ssyncadd.s32 $0xFFFFC380  }
0x2d: {  	[bflag:$0x0] =	sbarrier.arrive $0xFFFF  }
0x2e: {  	s17 =	simm.s32 $0x0  }
0x2f: {  	[tilespmem:s15], [sflag:$0x1] =	stream.indirect.gather [hbm4b:s4+s14], $0x80, s17, s14, $0xb8;
	[tilespmem:$0x1FC00] =	vst v63  }
0x30: {  	_ =	swait.ge [sflag:s12], $0x4000  }
0x31: {  	[sflag:s12] =	ssyncset.done $0x0  }
0x32: {  	s31 =	simm.s32 $0x4000;
	[sflag:s12] =	ssyncadd.s32 $0xFFFFC000  }
0x33: {  	[spmem:s1] =	stream.indirect.scatter.add.f32 [tilespmem:s15], [sflag:$0x1], $0x80, s31, s14, $0xb8;
	[tilespmem:$0x1FC00] =	vst v63  }
0x34: {  	_ =	swait.ge [sflag:s12], $0x4000  }
0x35: {  	s17 =	simm.s32 $0x200;
	s18 =	simm.s32 $0x400;
	[sflag:s12] =	ssyncset.done $0x0  }
.LBB2_6:
0x36: {  	s19 =	sshra.s32 s17, $0x2  }
0x37: {  	[sflag:s12] =	ssyncadd.s32 $0xFFFFC000;
	s17 =	smov.u32 s18;
	s20 =	sadd.s32 $0x200, s18  }
0x38: {  	[tilespmem:s15], [sflag:$0x1] =	stream.indirect.gather [hbm4b:s4+s14], $0x80, s19, s14, $0xb8;
	[tilespmem:$0x1FC00] =	vst v63  }
0x39: {  	p1 =	sne.s32 s18, $0x4800;
	_ =	swait.ge [sflag:s12], $0x4000  }
.Ltmp3:
0x3a: {  	[sflag:s12] =	ssyncset.done $0x0;
	(pc) =	sbr.rel @p1 .LBB2_6-.Ltmp3, $4  }
0x3b: {  	s18 =	sadd.s32 $0x4000, s19;
	[sflag:s12] =	ssyncadd.s32 $0xFFFFC000  }
0x3c: {  	[spmem:s1] =	stream.indirect.scatter.add.f32 [tilespmem:s15], [sflag:$0x1], $0x80, s18, s14, $0xb8;
	[tilespmem:$0x1FC00] =	vst v63  }
0x3d: {  	_ =	swait.ge [sflag:s12], $0x4000  }
0x3e: {  	s18 =	smov.u32 s20;
	[sflag:s12] =	ssyncset.done $0x0  }
.Ltmp4:
0x3f: {  	_ = 	snop;
	(pc) =	sbr.rel .LBB2_7-.Ltmp4, $1  }
0x40: {  	_ =	sdelay $0x3  }
.LBB2_2:
0x41: {  	[tilespmem:s15], [sflag:$0x1] =	stream.indirect.gather [hbm4b:s4+s14], $0x80, s17, s14, $0xb8;
	[tilespmem:$0x1FC00] =	vst v63  }
0x42: {  	_ =	swait.ge [sflag:s12], $0x4000  }
0x43: {  	[sflag:s12] =	ssyncset.done $0x0  }
0x44: {  	s31 =	simm.s32 $0x4000;
	[sflag:s12] =	ssyncadd.s32 $0xFFFFC000  }
0x45: {  	[spmem:s1] =	stream.indirect.scatter.add.f32 [tilespmem:s15], [sflag:$0x1], $0x80, s31, s14, $0xb8;
	[tilespmem:$0x1FC00] =	vst v63  }
0x46: {  	_ =	swait.ge [sflag:s12], $0x4000  }
0x47: {  	s17 =	simm.s32 $0x200;
	s18 =	simm.s32 $0x400;
	[sflag:s12] =	ssyncset.done $0x0  }
.LBB2_3:
0x48: {  	s19 =	sshra.s32 s17, $0x2  }
0x49: {  	[sflag:s12] =	ssyncadd.s32 $0xFFFFC000;
	s17 =	smov.u32 s18;
	s20 =	sadd.s32 $0x200, s18  }
0x4a: {  	[tilespmem:s15], [sflag:$0x1] =	stream.indirect.gather [hbm4b:s4+s14], $0x80, s19, s14, $0xb8;
	[tilespmem:$0x1FC00] =	vst v63  }
0x4b: {  	p1 =	seq.s32 s18, $0xF000;
	_ =	swait.ge [sflag:s12], $0x4000  }
.Ltmp5:
0x4c: {  	[sflag:s12] =	ssyncset.done $0x0;
	(pc) =	sbr.rel @!p1 .LBB2_3-.Ltmp5, $4  }
0x4d: {  	s18 =	sadd.s32 $0x4000, s19;
	[sflag:s12] =	ssyncadd.s32 $0xFFFFC000  }
0x4e: {  	[spmem:s1] =	stream.indirect.scatter.add.f32 [tilespmem:s15], [sflag:$0x1], $0x80, s18, s14, $0xb8;
	[tilespmem:$0x1FC00] =	vst v63  }
0x4f: {  	_ =	swait.ge [sflag:s12], $0x4000  }
0x50: {  	s18 =	smov.u32 s20;
	[sflag:s12] =	ssyncset.done $0x0  }
0x51: {  	s17 =	sshra.s32 s17, $0x2;
	[sflag:s12] =	ssyncadd.s32 $0xFFFFC000  }
0x52: {  	[tilespmem:s15], [sflag:$0x1] =	stream.indirect.gather [hbm4b:s4+s14], $0x80, s17, s14, $0xb8;
	[tilespmem:$0x1FC00] =	vst v63  }
0x53: {  	_ =	swait.ge [sflag:s12], $0x4000  }
0x54: {  	[sflag:s12] =	ssyncset.done $0x0  }
.Ltmp6:
0x55: {  	s17 =	sadd.s32 $0x4000, s17;
	[sflag:s12] =	ssyncadd.s32 $0xFFFFC000;
	(pc) =	sbr.rel .LBB2_8-.Ltmp6, $4  }
0x56: {  	[spmem:s1] =	stream.indirect.scatter.add.f32 [tilespmem:s15], [sflag:$0x1], $0x80, s17, s14, $0xb8;
	[tilespmem:$0x1FC00] =	vst v63  }
0x57: {  	_ =	swait.ge [sflag:s12], $0x4000  }
0x58: {  	[sflag:s12] =	ssyncset.done $0x0  }
0x59: {  	[sflag:s12] =	ssyncadd.s32 $0xFFFFC000  }
.LBB2_9:
0x5a: {  	_ =	sfence.sel $0x180000  }
0x5b: {  	[bflag:$0x0] =	sbarrier.arrive $0xFFFF  }
0x5c: {  	p0 =	sne.s32 s2, $0x0;
	_ =	strace $0x9000004A  }
0x5d: {  	s0 =	sadd.s32 @!p0 $0x100000, s0;
	[bflag:$0x2] =	sbarrier.arrive $0xFFFF  }
0x5e: {  	[sflag:s0] =	ssyncadd.tile.s32 @!p0 $0x1;
	_ =	shalt  }
.Lfunc_end2:
_tile_overlayer_lowered:
.L_overlay_start_2:
0x5f: {  	(tag) =	ssettag $0x2  }
0x60: {  	s0 =	rddreg [dreg:$0x0];
	s2 =	stileid.u32  }
0x61: {  	s1 =	rddreg [dreg:$0x1];
	p0 =	sne.s32 s2, $0x0  }
0x62: {  	s3 =	rddreg [dreg:$0x2];
	[bflag:$0x3] =	sbarrier.arrive $0xFFFF;
	s2 =	simm.s32 @!p0 $0x1C01  }
0x63: {  	[timem:s3], [sflag:s2] =	dma.local @!p0 [hbm:s0], s1  }
0x64: {  	s0 =	simm.s32 @!p0 $0x1  }
0x65: {  	_ =	swait.ge @!p0 [sflag:s0], s1  }
0x66: {  	s1 =	ssub.s32 @!p0 $0x0, s1;
	[sflag:s0] =	ssyncset.done @!p0 $0x0  }
0x67: {  	[sflag:s0] =	ssyncadd.s32 @!p0 s1  }
0x68: {  	[bflag:$0x3] =	sbarrier.arrive $0xFFFF  }
0x69: {  	_ =	shalt  }

// kernel: kernel.15.cloned.1.call-start
scs
__scs_entry_jumppad:
0x0: {  	(pc) =	sbr.rel $0x88, $3  }
0x1: {  	(tag) =	ssettag $0x0;
	lr =	simm.s32 $0x1  }
0x2: {  	[smem:$0x3F98] =	sst lr;
	_ =	strace $0xD0000000  }
0x3: {  	_ = 	snop  }
0x4: {  	_ = 	snop  }
0x5: {  	_ = 	snop  }
0x6: {  	_ = 	snop  }
0x7: {  	_ = 	snop  }
__scs_overlays_trampoline_lowered:
0x8: {  	[smem:$0x3FA7] =	sst s0  }
0x9: {  	[smem:$0x3FA8] =	sst s1  }
0xa: {  	[smem:$0x3FA9] =	sst s2  }
0xb: {  	[smem:$0x3FAA] =	sst s3  }
0xc: {  	[smem:$0x3FAB] =	sst s4  }
0xd: {  	[smem:$0x3FAC] =	sst s5  }
0xe: {  	[smem:$0x3FAD] =	sst s6  }
0xf: {  	[smem:$0x3FAE] =	sst s7  }
0x10: {  	[smem:$0x3FAF] =	sst s8  }
0x11: {  	[smem:$0x3FB0] =	sst s9;
	s0 =	simm.s32 @!p0 $0x0  }
0x12: {  	s1 =	sld [smem:$0x3F96];
	s0 =	simm.s32 @p0 $0x1  }
0x13: {  	[smem:$0x3FB1] =	sst s0;
	s0 =	simm.s32 @!p1 $0x0  }
0x14: {  	s2 =	sld [smem:$0x3F95];
	s0 =	simm.s32 @p1 $0x1  }
0x15: {  	[smem:$0x3FB2] =	sst s0;
	s0 =	simm.s32 @!p2 $0x0  }
0x16: {  	s3 =	sld [smem:$0x3FDB];
	s0 =	simm.s32 @p2 $0x1  }
0x17: {  	s4 =	simm.s32 $0x1BF5;
	[smem:$0x3FB4] =	sst s0  }
0x18: {  	s0 =	sld [smem:$0x3F97];
	_ =	swait.ge [sflag:s4], $0x0  }
0x19: {  	s7 =	sld [smem:$0x3F98]  }
0x1a: {  	s8 =	sadd.s32 $0xFFFFE003, lr  }
0x1b: {  	s9 =	sadd.s32 $0xFFFFFEF7, lr;
	s5 =	simm.s32 $0xFFFFFFFF;
	p2 =	slt.u32 s8, $0xFFFFF086  }
0x1c: {  	p1 =	slt.u32 s9, $0xF7A;
	s5 =	simm.s32 @!p2 $0x0  }
0x1d: {  	s5 =	simm.s32 @p1 $0x1;
	p0 =	seq.s32 s7, s2  }
0x1e: {  	s7 =	smul.u32 @!p0 $0xF7A, s2;
	p2 =	seq.s32 @!p0 s5, $0x0  }
0x1f: {  	s9 =	smul.u32 $0xF7A, s1;
	s8 =	simm.s32 @!p0 $0x1BF5;
	p2 =	por !p2, p0  }
0x20: {  	[sflag:s8] =	ssyncset.s32 @!p0 $0xFFFFF086;
	s6 =	sadd.s32 @!p0 s3, s7;
	s7 =	simm.s32 @!p0 $0x108  }
0x21: {  	s3 =	sadd.s32 s3, s9;
	s6 =	sadd.s32 @!p0 $0x88, s6;
	s7 =	simm.s32 @p2 $0x1082  }
0x22: {  	[simem:s7], [sflag:s8] =	dma.local @!p0 [hbm:s6], $0xF7A  }
0x23: {  	s9 =	sor.u32 $0xD0000000, s2;
	s6 =	simm.s32 $0x108;
	_ =	swait.ge @!p0 [sflag:s8], $0x0  }
0x24: {  	s3 =	sadd.s32 $0x88, s3;
	s6 =	simm.s32 @!p1 $0x1082;
	[sflag:s4] =	ssyncset.s32 $0xFFFFF086  }
0x25: {  	[simem:s6], [sflag:s4] =	dma.local [hbm:s3], $0xF7A  }
0x26: {  	[smem:$0x3F98] =	sst s1;
	(tag) =	ssettag s2;
	_ =	strace s9  }
0x27: {  	s1 =	sld [smem:$0x3FA8]  }
0x28: {  	s2 =	sld [smem:$0x3FA9]  }
0x29: {  	s4 =	sld [smem:$0x3FAB]  }
0x2a: {  	p0 =	seq.s32 s5, $0x0;
	s5 =	sld [smem:$0x3FAC]  }
0x2b: {  	s6 =	sld [smem:$0x3FAD]  }
0x2c: {  	s7 =	sld [smem:$0x3FAE]  }
0x2d: {  	s3 =	simm.s32 $0x108;
	s8 =	sld [smem:$0x3FAF]  }
0x2e: {  	s3 =	simm.s32 @!p0 $0x1082;
	s9 =	sld [smem:$0x3FB0]  }
0x2f: {  	lr =	sadd.s32 s0, s3;
	s0 =	sld [smem:$0x3FA7]  }
0x30: {  	s3 =	sld [smem:$0x3FAA]  }
0x31: {  	[smem:$0x3FB3] =	sst s10  }
0x32: {  	s10 =	sld [smem:$0x3FB1];
	_ =	sdelay $0x3  }
0x33: {  	p0 =	seq.s32 s10, $0x1;
	s10 =	sld [smem:$0x3FB3];
	_ =	sdelay $0x3  }
0x34: {  	[smem:$0x3FB3] =	sst s10  }
0x35: {  	s10 =	sld [smem:$0x3FB2];
	_ =	sdelay $0x3  }
0x36: {  	p1 =	seq.s32 s10, $0x1;
	s10 =	sld [smem:$0x3FB3];
	_ =	sdelay $0x3  }
0x37: {  	[smem:$0x3FB3] =	sst s10  }
0x38: {  	s10 =	sld [smem:$0x3FB4]  }
0x39: {  	_ = 	snop;
	(pc) =	sbr.ind lr, $3  }
0x3a: {  	_ = 	snop  }
0x3b: {  	_ = 	snop  }
0x3c: {  	p2 =	seq.s32 s10, $0x1;
	s10 =	sld [smem:$0x3FB3]  }
0x3d: {  	_ =	shalt  }
0x3e: {  	_ =	shalt  }
0x3f: {  	_ =	shalt  }
0x40: {  	_ =	shalt  }
0x41: {  	_ =	shalt  }
0x42: {  	_ =	shalt  }
0x43: {  	_ =	shalt  }
0x44: {  	_ =	shalt  }
0x45: {  	_ =	shalt  }
0x46: {  	_ =	shalt  }
0x47: {  	_ =	shalt  }
0x48: {  	_ =	shalt  }
0x49: {  	_ =	shalt  }
0x4a: {  	_ =	shalt  }
0x4b: {  	_ =	shalt  }
0x4c: {  	_ =	shalt  }
0x4d: {  	_ =	shalt  }
0x4e: {  	_ =	shalt  }
0x4f: {  	_ =	shalt  }
0x50: {  	_ =	shalt  }
0x51: {  	_ =	shalt  }
0x52: {  	_ =	shalt  }
0x53: {  	_ =	shalt  }
0x54: {  	_ =	shalt  }
0x55: {  	_ =	shalt  }
0x56: {  	_ =	shalt  }
0x57: {  	_ =	shalt  }
0x58: {  	_ =	shalt  }
0x59: {  	_ =	shalt  }
0x5a: {  	_ =	shalt  }
0x5b: {  	_ =	shalt  }
0x5c: {  	_ =	shalt  }
0x5d: {  	_ =	shalt  }
0x5e: {  	_ =	shalt  }
0x5f: {  	_ =	shalt  }
0x60: {  	_ =	shalt  }
0x61: {  	_ =	shalt  }
0x62: {  	_ =	shalt  }
0x63: {  	_ =	shalt  }
0x64: {  	_ =	shalt  }
0x65: {  	_ =	shalt  }
0x66: {  	_ =	shalt  }
0x67: {  	_ =	shalt  }
0x68: {  	_ =	shalt  }
0x69: {  	_ =	shalt  }
0x6a: {  	_ =	shalt  }
0x6b: {  	_ =	shalt  }
0x6c: {  	_ =	shalt  }
0x6d: {  	_ =	shalt  }
0x6e: {  	_ =	shalt  }
0x6f: {  	_ =	shalt  }
0x70: {  	_ =	shalt  }
0x71: {  	_ =	shalt  }
0x72: {  	_ =	shalt  }
0x73: {  	_ =	shalt  }
0x74: {  	_ =	shalt  }
0x75: {  	_ =	shalt  }
0x76: {  	_ =	shalt  }
0x77: {  	_ =	shalt  }
0x78: {  	_ =	shalt  }
0x79: {  	_ =	shalt  }
0x7a: {  	_ =	shalt  }
0x7b: {  	_ =	shalt  }
0x7c: {  	_ =	shalt  }
0x7d: {  	_ =	shalt  }
0x7e: {  	_ =	shalt  }
0x7f: {  	_ =	shalt  }
0x80: {  	_ =	shalt  }
0x81: {  	_ =	shalt  }
0x82: {  	_ =	shalt  }
0x83: {  	_ =	shalt  }
0x84: {  	_ =	shalt  }
0x85: {  	_ =	shalt  }
0x86: {  	_ =	shalt  }
0x87: {  	_ =	shalt  }
.Lfunc_end0:
.L_simem_size_0:
called_computation.2_lowered:
.L_overlay_start_0:
0x88: {  	s2 =	sld [smem:$0x3FD9]  }
0x89: {  	s3 =	sld [smem:$0x3FFE];
	_ =	sdelay $0x1  }
0x8a: {  	s1 =	srdreg.scid  }
0x8b: {  	s0 =	sand.u32 $0x1, s1  }
0x8c: {  	s16 =	sshll.u32 s0, $0xA;
	s2 =	sadd.s32 s3, s2  }
0x8d: {  	s2 =	sadd.s32 s2, s16  }
0x8e: {  	[smem:$0x3FBF] =	sst s2  }
0x8f: {  	_ = 	snop  }
0x90: {  	(tm) =	ssettm $0x1  }
0x91: {  	s17 =	sld [smem:$0x3FFB];
	_ =	sdelay $0x3  }
0x92: {  	_ =	strace s17  }
0x93: {  	s2 =	sld [smem:$0x3FFC];
	_ =	sdelay $0x3  }
0x94: {  	_ =	strace s2  }
0x95: {  	s2 =	sld [smem:$0x3FFD];
	_ =	sdelay $0x3  }
0x96: {  	_ =	strace s2  }
0x97: {  	_ =	strace $0x8FFFFFFF  }
0x98: {  	s18 =	sld [smem:$0x3FDB];
	_ =	sdelay $0x1  }
0x99: {  	s19 =	simm.s32 $_scs_section_size  }
0x9a: {  	s4 =	simm.s32 $_size__tile_overlayer_lowered;
	s5 =	simm.s32 $_tile_overlayer_lowered  }
0x9b: {  	s22 =	simm.s32 $0x1BFF;
	s21 =	sshll.u32 s5, $0x1;
	s2 =	sadd.s32 s19, s18  }
0x9c: {  	s6 =	simm.s32 $0x0;
	s20 =	sshll.u32 s4, $0x1;
	s4 =	sadd.s32 s21, s2  }
0x9d: {  	[timem:s6], [sflag:s22] =	dma.local [hbm:s4], s20  }
0x9e: {  	_ =	swait.ge [sflag:s22], s20  }
0x9f: {  	s3 =	ssub.s32 $0x0, s20;
	[sflag:s22] =	ssyncset.done $0x0  }
0xa0: {  	[sflag:s22] =	ssyncadd.s32 s3;
	_ =	sdelay $0x1  }
0xa1: {  	s23 =	simm.s32 $0x1B8B  }
0xa2: {  	_ =	swait.ge [sflag:s23], $0x1  }
0xa3: {  	[sflag:s23] =	ssyncset.done $0x0  }
0xa4: {  	s25 =	simm.s32 $0x1B8E;
	s24 =	sld [smem:$0x3FFE];
	[sflag:s23] =	ssyncadd.s32 $0xFFFFFFFF  }
0xa5: {  	s26 =	simm.s32 $execute0_lowered;
	[smem:$0x3FD2] =	sst s25  }
0xa6: {  	s4 =	sshll.u32 s26, $0x1;
	_ =	strace $0x8000004C;
	[dreg:$0x1] =	wrdreg $0xFFFFFFFF  }
0xa7: {  	s28 =	simm.s32 $_size_execute0_lowered;
	s2 =	sadd.s32 s2, s4;
	[dreg:$0x0] =	wrdreg $0x0  }
0xa8: {  	s4 =	sshll.u32 s28, $0x1;
	[dreg:$0x2] =	wrdreg s2  }
0xa9: {  	[dreg:$0x3] =	wrdreg s4  }
0xaa: {  	[dreg:$0x4] =	wrdreg $0xC0  }
0xab: {  	_ =	task [dreg:s6], $0x5FFFF  }
0xac: {  	[dreg:$0x1] =	wrdreg $0xFFFFFFFF  }
0xad: {  	[dreg:$0x0] =	wrdreg $0x60  }
0xae: {  	[dreg:$0x2] =	wrdreg s24  }
0xaf: {  	[dreg:$0x3] =	wrdreg $0xC0000  }
0xb0: {  	[dreg:$0x4] =	wrdreg $0x9  }
0xb1: {  	_ =	task.clear_ibuf [dreg:s6], $0x5FFFF;
	_ =	strace $0x9000004C  }
0xb2: {  	s29 =	simm.s32 $0x9;
	_ =	strace $0x8000004E  }
0xb3: {  	_ =	swait.ge [sflag:s29], $0x1  }
0xb4: {  	[sflag:s29] =	ssyncadd.s32 $0xFFFFFFFF  }
0xb5: {  	_ =	strace $0x9000004E  }
0xb6: {  	_ =	sfence  }
0xb7: {  	s30 =	sld [smem:$0x0];
	_ =	sdelay $0x2  }
0xb8: {  	s31 =	sshll.u32 s1, $0xD;
	s1 =	sshrl.u32 s1, $0x2  }
0xb9: {  	s3 =	sand.u32 $0x4000, s31;
	s1 =	sadd.s32 s1, s30  }
0xba: {  	s0 =	sor.u32 s3, s0;
	s1 =	sshll.u32 s1, $0x11  }
0xbb: {  	s0 =	sor.u32 s1, s0  }
0xbc: {  	s0 =	sadd.s32 $0x8F2B, s0  }
0xbd: {  	[sflag:s0] =	ssyncadd.remote.s32 $0x1  }
0xbe: {  	_ =	sfence.sel $0xFFFF  }
0xbf: {  	[dreg:$0x0] =	wrdreg $0xFFFFFFFF;
	(pc) =	sbr.abs _section_cstart, $3  }
0xc0: {  	[dreg:$0x1] =	wrdreg $0xFFFFFFFF  }
0xc1: {  	_ =	task.clear_ibuf [dreg:s6], $0x2FFFF;
	_ =	strace $0x9FFFFFFF  }
0xc2: {  	(tm) =	ssettm $0x7FFFFFFF  }
0xc3: {  	_ =	shalt  }
tec
execute0_lowered:
.L_overlay_start_1:
0x0: {  	(tag) =	ssettag $0x1  }
0x1: {  	s5 =	rddreg [dreg:$0x0]  }
0x2: {  	s1 =	rddreg [dreg:$0x1]  }
0x3: {  	s0 =	rddreg [dreg:$0x2]  }
0x4: {  	s3 =	simm.s32 $0x0;
	s4 =	srdreg.scid;
	s2 =	stileid.u32  }
0x5: {  	s14 =	simm.s32 $0x80;
	s15 =	simm.s32 $0x8000;
	s16 =	simm.s32 $0x0  }
0x6: {  	[smem:$0x7FF] =	sst s3;
	s9 =	sand.u32 $0x1, s4;
	s7 =	smul.u32 $0x13C00, s2  }
0x7: {  	s6 =	sshll.u32 s2, $0xB;
	s11 =	smul.u32 $0x4F000, s2;
	s31 =	sshll.u32 s2, $0x6  }
0x8: {  	s4 =	sshll.u32 s9, $0xF;
	_ =	strace $0x8000004D;
	s28 =	smul.u32 $0x13C000, s9  }
0x9: {  	s29 =	ssub.s32 $0x2, s9;
	p0 =	seq.s32 s9, $0x1;
	s4 =	sor.u32 s6, s4  }
0xa: {  	s10 =	sshrl.u32 s7, $0x3;
	s12 =	sshrl.u32 s29, $0x1;
	s30 =	sshrl.u32 s11, $0x2  }
0xb: {  	s8 =	sadd.s32 s4, s5;
	s4 =	sadd.s32 $0x33400, s5;
	s6 =	sadd.s32 s7, s28  }
.Ltmp0:
0xc: {  	s10 =	sadd.s32 s10, s5;
	s12 =	ssub.s32 s29, s12;
	(pc) =	sbr.rel .LBB2_1-.Ltmp0, $4  }
0xd: {  	s11 =	sadd.s32 s30, s1;
	s6 =	sshrl.u32 s6, $0x3;
	s7 =	sadd.s32 $0x92C00, s8  }
0xe: {  	s8 =	sadd.s32 $0x82C00, s8;
	s11 =	sshrl.u32 s11, $0x3;
	s13 =	sadd.s32 s6, s5  }
0xf: {  	s5 =	sadd.s32 $0xBC00, s10;
	s6 =	sor.u32 $0x1C01, s31;
	s10 =	smax.u32 s12, $0x1  }
0x10: {  	s12 =	simm.s32 $0x1;
	s9 =	sadd.s32 $0xA2C00, s13;
	s13 =	simm.s32 $0x4000  }
.LBB2_7:
0x11: {  	s17 =	sshra.s32 s17, $0x2;
	[sflag:s12] =	ssyncadd.s32 $0xFFFFC000  }
0x12: {  	[tilespmem:s15], [sflag:$0x1] =	stream.indirect.gather [hbm4b:s4+s14], $0x80, s17, s14, $0xb8;
	[tilespmem:$0x1FC00] =	vst v63  }
0x13: {  	_ =	swait.ge [sflag:s12], $0x4000  }
0x14: {  	[sflag:s12] =	ssyncset.done $0x0  }
0x15: {  	s17 =	sadd.s32 $0x4000, s17;
	[sflag:s12] =	ssyncadd.s32 $0xFFFFC000  }
0x16: {  	[spmem:s1] =	stream.indirect.scatter.add.f32 [tilespmem:s15], [sflag:$0x1], $0x80, s17, s14, $0xb8;
	[tilespmem:$0x1FC00] =	vst v63  }
0x17: {  	_ =	swait.ge [sflag:s12], $0x4000  }
0x18: {  	[sflag:s12] =	ssyncset.done $0x0  }
0x19: {  	[sflag:s12] =	ssyncadd.s32 $0xFFFFC000  }
.LBB2_8:
0x1a: {  	s16 =	sadd.s32 $0x1, s16  }
0x1b: {  	p1 =	sne.s32 s16, s10  }
.Ltmp1:
0x1c: {  	[bflag:$0x0] =	sbarrier.arrive $0xFFFF;
	(pc) =	sbr.rel @!p1 .LBB2_9-.Ltmp1, $4  }
0x1d: {  	[hbm:s9], [sflag:s6] =	dma.local [spmem:s11], $0x2780  }
0x1e: {  	_ =	swait.ge [sflag:s12], $0x2780  }
0x1f: {  	[sflag:s12] =	ssyncset.done $0x0  }
0x20: {  	[sflag:s12] =	ssyncadd.s32 $0xFFFFD880  }
.LBB2_1:
0x21: {  	[spmem:s11], [sflag:s6] =	dma.local [hbm:s5], $0x2780  }
0x22: {  	_ =	swait.ge [sflag:s12], $0x2780  }
0x23: {  	[sflag:s12] =	ssyncset.done $0x0  }
0x24: {  	[sflag:s12] =	ssyncadd.s32 $0xFFFFD880  }
0x25: {  	[tilespmem:s3], [sflag:$0x1] =	stream.linear.gather [hbm4b:s7+s3], $0x3C80, $0x38;
	[tilespmem:$0x1FC00] =	vst v63  }
0x26: {  	_ =	swait.ge [sflag:s12], $0x3C80  }
0x27: {  	[sflag:s12] =	ssyncset.done $0x0  }
0x28: {  	[sflag:s12] =	ssyncadd.s32 $0xFFFFC380  }
0x29: {  	[tilespmem:s13], [sflag:$0x1] =	stream.linear.gather [hbm4b:s8+s3], $0x3C80, $0x38;
	[tilespmem:$0x1FC00] =	vst v63  }
.Ltmp2:
0x2a: {  	_ =	swait.ge [sflag:s12], $0x3C80;
	(pc) =	sbr.rel @!p0 .LBB2_2-.Ltmp2, $4  }
0x2b: {  	[sflag:s12] =	ssyncset.done $0x0  }
0x2c: {  	[sflag:s12] =	ssyncadd.s32 $0xFFFFC380  }
0x2d: {  	[bflag:$0x0] =	sbarrier.arrive $0xFFFF  }
0x2e: {  	s17 =	simm.s32 $0x0  }
0x2f: {  	[tilespmem:s15], [sflag:$0x1] =	stream.indirect.gather [hbm4b:s4+s14], $0x80, s17, s14, $0xb8;
	[tilespmem:$0x1FC00] =	vst v63  }
0x30: {  	_ =	swait.ge [sflag:s12], $0x4000  }
0x31: {  	[sflag:s12] =	ssyncset.done $0x0  }
0x32: {  	s31 =	simm.s32 $0x4000;
	[sflag:s12] =	ssyncadd.s32 $0xFFFFC000  }
0x33: {  	[spmem:s1] =	stream.indirect.scatter.add.f32 [tilespmem:s15], [sflag:$0x1], $0x80, s31, s14, $0xb8;
	[tilespmem:$0x1FC00] =	vst v63  }
0x34: {  	_ =	swait.ge [sflag:s12], $0x4000  }
0x35: {  	s17 =	simm.s32 $0x200;
	s18 =	simm.s32 $0x400;
	[sflag:s12] =	ssyncset.done $0x0  }
.LBB2_6:
0x36: {  	s19 =	sshra.s32 s17, $0x2  }
0x37: {  	[sflag:s12] =	ssyncadd.s32 $0xFFFFC000;
	s17 =	smov.u32 s18;
	s20 =	sadd.s32 $0x200, s18  }
0x38: {  	[tilespmem:s15], [sflag:$0x1] =	stream.indirect.gather [hbm4b:s4+s14], $0x80, s19, s14, $0xb8;
	[tilespmem:$0x1FC00] =	vst v63  }
0x39: {  	p1 =	sne.s32 s18, $0x4800;
	_ =	swait.ge [sflag:s12], $0x4000  }
.Ltmp3:
0x3a: {  	[sflag:s12] =	ssyncset.done $0x0;
	(pc) =	sbr.rel @p1 .LBB2_6-.Ltmp3, $4  }
0x3b: {  	s18 =	sadd.s32 $0x4000, s19;
	[sflag:s12] =	ssyncadd.s32 $0xFFFFC000  }
0x3c: {  	[spmem:s1] =	stream.indirect.scatter.add.f32 [tilespmem:s15], [sflag:$0x1], $0x80, s18, s14, $0xb8;
	[tilespmem:$0x1FC00] =	vst v63  }
0x3d: {  	_ =	swait.ge [sflag:s12], $0x4000  }
0x3e: {  	s18 =	smov.u32 s20;
	[sflag:s12] =	ssyncset.done $0x0  }
.Ltmp4:
0x3f: {  	_ = 	snop;
	(pc) =	sbr.rel .LBB2_7-.Ltmp4, $1  }
0x40: {  	_ =	sdelay $0x3  }
.LBB2_2:
0x41: {  	[tilespmem:s15], [sflag:$0x1] =	stream.indirect.gather [hbm4b:s4+s14], $0x80, s17, s14, $0xb8;
	[tilespmem:$0x1FC00] =	vst v63  }
0x42: {  	_ =	swait.ge [sflag:s12], $0x4000  }
0x43: {  	[sflag:s12] =	ssyncset.done $0x0  }
0x44: {  	s31 =	simm.s32 $0x4000;
	[sflag:s12] =	ssyncadd.s32 $0xFFFFC000  }
0x45: {  	[spmem:s1] =	stream.indirect.scatter.add.f32 [tilespmem:s15], [sflag:$0x1], $0x80, s31, s14, $0xb8;
	[tilespmem:$0x1FC00] =	vst v63  }
0x46: {  	_ =	swait.ge [sflag:s12], $0x4000  }
0x47: {  	s17 =	simm.s32 $0x200;
	s18 =	simm.s32 $0x400;
	[sflag:s12] =	ssyncset.done $0x0  }
.LBB2_3:
0x48: {  	s19 =	sshra.s32 s17, $0x2  }
0x49: {  	[sflag:s12] =	ssyncadd.s32 $0xFFFFC000;
	s17 =	smov.u32 s18;
	s20 =	sadd.s32 $0x200, s18  }
0x4a: {  	[tilespmem:s15], [sflag:$0x1] =	stream.indirect.gather [hbm4b:s4+s14], $0x80, s19, s14, $0xb8;
	[tilespmem:$0x1FC00] =	vst v63  }
0x4b: {  	p1 =	seq.s32 s18, $0xF000;
	_ =	swait.ge [sflag:s12], $0x4000  }
.Ltmp5:
0x4c: {  	[sflag:s12] =	ssyncset.done $0x0;
	(pc) =	sbr.rel @!p1 .LBB2_3-.Ltmp5, $4  }
0x4d: {  	s18 =	sadd.s32 $0x4000, s19;
	[sflag:s12] =	ssyncadd.s32 $0xFFFFC000  }
0x4e: {  	[spmem:s1] =	stream.indirect.scatter.add.f32 [tilespmem:s15], [sflag:$0x1], $0x80, s18, s14, $0xb8;
	[tilespmem:$0x1FC00] =	vst v63  }
0x4f: {  	_ =	swait.ge [sflag:s12], $0x4000  }
0x50: {  	s18 =	smov.u32 s20;
	[sflag:s12] =	ssyncset.done $0x0  }
0x51: {  	s17 =	sshra.s32 s17, $0x2;
	[sflag:s12] =	ssyncadd.s32 $0xFFFFC000  }
0x52: {  	[tilespmem:s15], [sflag:$0x1] =	stream.indirect.gather [hbm4b:s4+s14], $0x80, s17, s14, $0xb8;
	[tilespmem:$0x1FC00] =	vst v63  }
0x53: {  	_ =	swait.ge [sflag:s12], $0x4000  }
0x54: {  	[sflag:s12] =	ssyncset.done $0x0  }
.Ltmp6:
0x55: {  	s17 =	sadd.s32 $0x4000, s17;
	[sflag:s12] =	ssyncadd.s32 $0xFFFFC000;
	(pc) =	sbr.rel .LBB2_8-.Ltmp6, $4  }
0x56: {  	[spmem:s1] =	stream.indirect.scatter.add.f32 [tilespmem:s15], [sflag:$0x1], $0x80, s17, s14, $0xb8;
	[tilespmem:$0x1FC00] =	vst v63  }
0x57: {  	_ =	swait.ge [sflag:s12], $0x4000  }
0x58: {  	[sflag:s12] =	ssyncset.done $0x0  }
0x59: {  	[sflag:s12] =	ssyncadd.s32 $0xFFFFC000  }
.LBB2_9:
0x5a: {  	_ =	sfence.sel $0x180000  }
0x5b: {  	[bflag:$0x0] =	sbarrier.arrive $0xFFFF  }
0x5c: {  	p0 =	sne.s32 s2, $0x0;
	_ =	strace $0x9000004D  }
0x5d: {  	s0 =	sadd.s32 @!p0 $0x100000, s0;
	[bflag:$0x2] =	sbarrier.arrive $0xFFFF  }
0x5e: {  	[sflag:s0] =	ssyncadd.tile.s32 @!p0 $0x1;
	_ =	shalt  }
.Lfunc_end2:
_tile_overlayer_lowered:
.L_overlay_start_2:
0x5f: {  	(tag) =	ssettag $0x2  }
0x60: {  	s0 =	rddreg [dreg:$0x0];
	s2 =	stileid.u32  }
0x61: {  	s1 =	rddreg [dreg:$0x1];
	p0 =	sne.s32 s2, $0x0  }
0x62: {  	s3 =	rddreg [dreg:$0x2];
	[bflag:$0x3] =	sbarrier.arrive $0xFFFF;
	s2 =	simm.s32 @!p0 $0x1C01  }
0x63: {  	[timem:s3], [sflag:s2] =	dma.local @!p0 [hbm:s0], s1  }
0x64: {  	s0 =	simm.s32 @!p0 $0x1  }
0x65: {  	_ =	swait.ge @!p0 [sflag:s0], s1  }
0x66: {  	s1 =	ssub.s32 @!p0 $0x0, s1;
	[sflag:s0] =	ssyncset.done @!p0 $0x0  }
0x67: {  	[sflag:s0] =	ssyncadd.s32 @!p0 s1  }
0x68: {  	[bflag:$0x3] =	sbarrier.arrive $0xFFFF  }
0x69: {  	_ =	shalt  }

// kernel: kernel.9.cloned.1.call-start
scs
__scs_entry_jumppad:
0x0: {  	(pc) =	sbr.rel $0x88, $3  }
0x1: {  	(tag) =	ssettag $0x0;
	lr =	simm.s32 $0x1  }
0x2: {  	[smem:$0x3F98] =	sst lr;
	_ =	strace $0xD0000000  }
0x3: {  	_ = 	snop  }
0x4: {  	_ = 	snop  }
0x5: {  	_ = 	snop  }
0x6: {  	_ = 	snop  }
0x7: {  	_ = 	snop  }
__scs_overlays_trampoline_lowered:
0x8: {  	[smem:$0x3FA7] =	sst s0  }
0x9: {  	[smem:$0x3FA8] =	sst s1  }
0xa: {  	[smem:$0x3FA9] =	sst s2  }
0xb: {  	[smem:$0x3FAA] =	sst s3  }
0xc: {  	[smem:$0x3FAB] =	sst s4  }
0xd: {  	[smem:$0x3FAC] =	sst s5  }
0xe: {  	[smem:$0x3FAD] =	sst s6  }
0xf: {  	[smem:$0x3FAE] =	sst s7  }
0x10: {  	[smem:$0x3FAF] =	sst s8  }
0x11: {  	[smem:$0x3FB0] =	sst s9;
	s0 =	simm.s32 @!p0 $0x0  }
0x12: {  	s1 =	sld [smem:$0x3F96];
	s0 =	simm.s32 @p0 $0x1  }
0x13: {  	[smem:$0x3FB1] =	sst s0;
	s0 =	simm.s32 @!p1 $0x0  }
0x14: {  	s2 =	sld [smem:$0x3F95];
	s0 =	simm.s32 @p1 $0x1  }
0x15: {  	[smem:$0x3FB2] =	sst s0;
	s0 =	simm.s32 @!p2 $0x0  }
0x16: {  	s3 =	sld [smem:$0x3FDB];
	s0 =	simm.s32 @p2 $0x1  }
0x17: {  	s4 =	simm.s32 $0x1BF5;
	[smem:$0x3FB4] =	sst s0  }
0x18: {  	s0 =	sld [smem:$0x3F97];
	_ =	swait.ge [sflag:s4], $0x0  }
0x19: {  	s7 =	sld [smem:$0x3F98]  }
0x1a: {  	s8 =	sadd.s32 $0xFFFFE003, lr  }
0x1b: {  	s9 =	sadd.s32 $0xFFFFFEF7, lr;
	s5 =	simm.s32 $0xFFFFFFFF;
	p2 =	slt.u32 s8, $0xFFFFF086  }
0x1c: {  	p1 =	slt.u32 s9, $0xF7A;
	s5 =	simm.s32 @!p2 $0x0  }
0x1d: {  	s5 =	simm.s32 @p1 $0x1;
	p0 =	seq.s32 s7, s2  }
0x1e: {  	s7 =	smul.u32 @!p0 $0xF7A, s2;
	p2 =	seq.s32 @!p0 s5, $0x0  }
0x1f: {  	s9 =	smul.u32 $0xF7A, s1;
	s8 =	simm.s32 @!p0 $0x1BF5;
	p2 =	por !p2, p0  }
0x20: {  	[sflag:s8] =	ssyncset.s32 @!p0 $0xFFFFF086;
	s6 =	sadd.s32 @!p0 s3, s7;
	s7 =	simm.s32 @!p0 $0x108  }
0x21: {  	s3 =	sadd.s32 s3, s9;
	s6 =	sadd.s32 @!p0 $0x88, s6;
	s7 =	simm.s32 @p2 $0x1082  }
0x22: {  	[simem:s7], [sflag:s8] =	dma.local @!p0 [hbm:s6], $0xF7A  }
0x23: {  	s9 =	sor.u32 $0xD0000000, s2;
	s6 =	simm.s32 $0x108;
	_ =	swait.ge @!p0 [sflag:s8], $0x0  }
0x24: {  	s3 =	sadd.s32 $0x88, s3;
	s6 =	simm.s32 @!p1 $0x1082;
	[sflag:s4] =	ssyncset.s32 $0xFFFFF086  }
0x25: {  	[simem:s6], [sflag:s4] =	dma.local [hbm:s3], $0xF7A  }
0x26: {  	[smem:$0x3F98] =	sst s1;
	(tag) =	ssettag s2;
	_ =	strace s9  }
0x27: {  	s1 =	sld [smem:$0x3FA8]  }
0x28: {  	s2 =	sld [smem:$0x3FA9]  }
0x29: {  	s4 =	sld [smem:$0x3FAB]  }
0x2a: {  	p0 =	seq.s32 s5, $0x0;
	s5 =	sld [smem:$0x3FAC]  }
0x2b: {  	s6 =	sld [smem:$0x3FAD]  }
0x2c: {  	s7 =	sld [smem:$0x3FAE]  }
0x2d: {  	s3 =	simm.s32 $0x108;
	s8 =	sld [smem:$0x3FAF]  }
0x2e: {  	s3 =	simm.s32 @!p0 $0x1082;
	s9 =	sld [smem:$0x3FB0]  }
0x2f: {  	lr =	sadd.s32 s0, s3;
	s0 =	sld [smem:$0x3FA7]  }
0x30: {  	s3 =	sld [smem:$0x3FAA]  }
0x31: {  	[smem:$0x3FB3] =	sst s10  }
0x32: {  	s10 =	sld [smem:$0x3FB1];
	_ =	sdelay $0x3  }
0x33: {  	p0 =	seq.s32 s10, $0x1;
	s10 =	sld [smem:$0x3FB3];
	_ =	sdelay $0x3  }
0x34: {  	[smem:$0x3FB3] =	sst s10  }
0x35: {  	s10 =	sld [smem:$0x3FB2];
	_ =	sdelay $0x3  }
0x36: {  	p1 =	seq.s32 s10, $0x1;
	s10 =	sld [smem:$0x3FB3];
	_ =	sdelay $0x3  }
0x37: {  	[smem:$0x3FB3] =	sst s10  }
0x38: {  	s10 =	sld [smem:$0x3FB4]  }
0x39: {  	_ = 	snop;
	(pc) =	sbr.ind lr, $3  }
0x3a: {  	_ = 	snop  }
0x3b: {  	_ = 	snop  }
0x3c: {  	p2 =	seq.s32 s10, $0x1;
	s10 =	sld [smem:$0x3FB3]  }
0x3d: {  	_ =	shalt  }
0x3e: {  	_ =	shalt  }
0x3f: {  	_ =	shalt  }
0x40: {  	_ =	shalt  }
0x41: {  	_ =	shalt  }
0x42: {  	_ =	shalt  }
0x43: {  	_ =	shalt  }
0x44: {  	_ =	shalt  }
0x45: {  	_ =	shalt  }
0x46: {  	_ =	shalt  }
0x47: {  	_ =	shalt  }
0x48: {  	_ =	shalt  }
0x49: {  	_ =	shalt  }
0x4a: {  	_ =	shalt  }
0x4b: {  	_ =	shalt  }
0x4c: {  	_ =	shalt  }
0x4d: {  	_ =	shalt  }
0x4e: {  	_ =	shalt  }
0x4f: {  	_ =	shalt  }
0x50: {  	_ =	shalt  }
0x51: {  	_ =	shalt  }
0x52: {  	_ =	shalt  }
0x53: {  	_ =	shalt  }
0x54: {  	_ =	shalt  }
0x55: {  	_ =	shalt  }
0x56: {  	_ =	shalt  }
0x57: {  	_ =	shalt  }
0x58: {  	_ =	shalt  }
0x59: {  	_ =	shalt  }
0x5a: {  	_ =	shalt  }
0x5b: {  	_ =	shalt  }
0x5c: {  	_ =	shalt  }
0x5d: {  	_ =	shalt  }
0x5e: {  	_ =	shalt  }
0x5f: {  	_ =	shalt  }
0x60: {  	_ =	shalt  }
0x61: {  	_ =	shalt  }
0x62: {  	_ =	shalt  }
0x63: {  	_ =	shalt  }
0x64: {  	_ =	shalt  }
0x65: {  	_ =	shalt  }
0x66: {  	_ =	shalt  }
0x67: {  	_ =	shalt  }
0x68: {  	_ =	shalt  }
0x69: {  	_ =	shalt  }
0x6a: {  	_ =	shalt  }
0x6b: {  	_ =	shalt  }
0x6c: {  	_ =	shalt  }
0x6d: {  	_ =	shalt  }
0x6e: {  	_ =	shalt  }
0x6f: {  	_ =	shalt  }
0x70: {  	_ =	shalt  }
0x71: {  	_ =	shalt  }
0x72: {  	_ =	shalt  }
0x73: {  	_ =	shalt  }
0x74: {  	_ =	shalt  }
0x75: {  	_ =	shalt  }
0x76: {  	_ =	shalt  }
0x77: {  	_ =	shalt  }
0x78: {  	_ =	shalt  }
0x79: {  	_ =	shalt  }
0x7a: {  	_ =	shalt  }
0x7b: {  	_ =	shalt  }
0x7c: {  	_ =	shalt  }
0x7d: {  	_ =	shalt  }
0x7e: {  	_ =	shalt  }
0x7f: {  	_ =	shalt  }
0x80: {  	_ =	shalt  }
0x81: {  	_ =	shalt  }
0x82: {  	_ =	shalt  }
0x83: {  	_ =	shalt  }
0x84: {  	_ =	shalt  }
0x85: {  	_ =	shalt  }
0x86: {  	_ =	shalt  }
0x87: {  	_ =	shalt  }
.Lfunc_end0:
.L_simem_size_0:
called_computation_lowered:
.L_overlay_start_0:
0x88: {  	s2 =	sld [smem:$0x3FD9]  }
0x89: {  	s3 =	sld [smem:$0x3FFE];
	_ =	sdelay $0x1  }
0x8a: {  	s1 =	srdreg.scid  }
0x8b: {  	s0 =	sand.u32 $0x1, s1  }
0x8c: {  	s16 =	sshll.u32 s0, $0xA;
	s2 =	sadd.s32 s3, s2  }
0x8d: {  	s2 =	sadd.s32 s2, s16  }
0x8e: {  	[smem:$0x3FBF] =	sst s2  }
0x8f: {  	_ = 	snop  }
0x90: {  	(tm) =	ssettm $0x1  }
0x91: {  	s17 =	sld [smem:$0x3FFB];
	_ =	sdelay $0x3  }
0x92: {  	_ =	strace s17  }
0x93: {  	s2 =	sld [smem:$0x3FFC];
	_ =	sdelay $0x3  }
0x94: {  	_ =	strace s2  }
0x95: {  	s2 =	sld [smem:$0x3FFD];
	_ =	sdelay $0x3  }
0x96: {  	_ =	strace s2  }
0x97: {  	_ =	strace $0x8FFFFFFF  }
0x98: {  	s18 =	sld [smem:$0x3FDB];
	_ =	sdelay $0x1  }
0x99: {  	s19 =	simm.s32 $_scs_section_size  }
0x9a: {  	s4 =	simm.s32 $_size__tile_overlayer_lowered;
	s5 =	simm.s32 $_tile_overlayer_lowered  }
0x9b: {  	s22 =	simm.s32 $0x1BFF;
	s21 =	sshll.u32 s5, $0x1;
	s2 =	sadd.s32 s19, s18  }
0x9c: {  	s6 =	simm.s32 $0x0;
	s20 =	sshll.u32 s4, $0x1;
	s4 =	sadd.s32 s21, s2  }
0x9d: {  	[timem:s6], [sflag:s22] =	dma.local [hbm:s4], s20  }
0x9e: {  	_ =	swait.ge [sflag:s22], s20  }
0x9f: {  	s3 =	ssub.s32 $0x0, s20;
	[sflag:s22] =	ssyncset.done $0x0  }
0xa0: {  	[sflag:s22] =	ssyncadd.s32 s3;
	_ =	sdelay $0x1  }
0xa1: {  	s23 =	simm.s32 $0x1B8B  }
0xa2: {  	_ =	swait.ge [sflag:s23], $0x1  }
0xa3: {  	[sflag:s23] =	ssyncset.done $0x0  }
0xa4: {  	s25 =	simm.s32 $0x1B8E;
	s24 =	sld [smem:$0x3FFE];
	[sflag:s23] =	ssyncadd.s32 $0xFFFFFFFF  }
0xa5: {  	s26 =	simm.s32 $execute0_lowered;
	[smem:$0x3FD2] =	sst s25  }
0xa6: {  	s4 =	sshll.u32 s26, $0x1;
	_ =	strace $0x80000046;
	[dreg:$0x1] =	wrdreg $0xFFFFFFFF  }
0xa7: {  	s28 =	simm.s32 $_size_execute0_lowered;
	s2 =	sadd.s32 s2, s4;
	[dreg:$0x0] =	wrdreg $0x0  }
0xa8: {  	s4 =	sshll.u32 s28, $0x1;
	[dreg:$0x2] =	wrdreg s2  }
0xa9: {  	[dreg:$0x3] =	wrdreg s4  }
0xaa: {  	[dreg:$0x4] =	wrdreg $0xC0  }
0xab: {  	_ =	task [dreg:s6], $0x5FFFF  }
0xac: {  	[dreg:$0x1] =	wrdreg $0xFFFFFFFF  }
0xad: {  	[dreg:$0x0] =	wrdreg $0x60  }
0xae: {  	[dreg:$0x2] =	wrdreg s24  }
0xaf: {  	[dreg:$0x3] =	wrdreg $0x68000  }
0xb0: {  	[dreg:$0x4] =	wrdreg $0x9  }
0xb1: {  	_ =	task.clear_ibuf [dreg:s6], $0x5FFFF;
	_ =	strace $0x90000046  }
0xb2: {  	s29 =	simm.s32 $0x9;
	_ =	strace $0x80000048  }
0xb3: {  	_ =	swait.ge [sflag:s29], $0x1  }
0xb4: {  	[sflag:s29] =	ssyncadd.s32 $0xFFFFFFFF  }
0xb5: {  	_ =	strace $0x90000048  }
0xb6: {  	_ =	sfence  }
0xb7: {  	s30 =	sld [smem:$0x0];
	_ =	sdelay $0x2  }
0xb8: {  	s31 =	sshll.u32 s1, $0xD;
	s1 =	sshrl.u32 s1, $0x2  }
0xb9: {  	s3 =	sand.u32 $0x4000, s31;
	s1 =	sadd.s32 s1, s30  }
0xba: {  	s0 =	sor.u32 s3, s0;
	s1 =	sshll.u32 s1, $0x11  }
0xbb: {  	s0 =	sor.u32 s1, s0  }
0xbc: {  	s0 =	sadd.s32 $0x8F2B, s0  }
0xbd: {  	[sflag:s0] =	ssyncadd.remote.s32 $0x1  }
0xbe: {  	_ =	sfence.sel $0xFFFF  }
0xbf: {  	[dreg:$0x0] =	wrdreg $0xFFFFFFFF;
	(pc) =	sbr.abs _section_cstart, $3  }
0xc0: {  	[dreg:$0x1] =	wrdreg $0xFFFFFFFF  }
0xc1: {  	_ =	task.clear_ibuf [dreg:s6], $0x2FFFF;
	_ =	strace $0x9FFFFFFF  }
0xc2: {  	(tm) =	ssettm $0x7FFFFFFF  }
0xc3: {  	_ =	shalt  }
tec
execute0_lowered:
.L_overlay_start_1:
0x0: {  	(tag) =	ssettag $0x1  }
0x1: {  	s0 =	srdreg.scid;
	s6 =	rddreg [dreg:$0x0]  }
0x2: {  	s2 =	rddreg [dreg:$0x1];
	s5 =	sand.u32 $0x1, s0;
	s0 =	stileid.u32  }
0x3: {  	s3 =	simm.s32 $0x0;
	s14 =	simm.s32 $0x0;
	s7 =	smul.u32 $0x13C00, s0  }
0x4: {  	[smem:$0x7FF] =	sst s3;
	s1 =	sshll.u32 s5, $0x4;
	s8 =	smul.u32 $0x13C000, s5  }
0x5: {  	s5 =	ssub.s32 $0x2, s5;
	s29 =	smul.u32 $0x4F000, s0;
	s31 =	sshll.u32 s0, $0x6  }
0x6: {  	s4 =	sor.u32 s0, s1;
	s1 =	rddreg [dreg:$0x2];
	_ =	strace $0x80000047  }
0x7: {  	s11 =	sshrl.u32 s5, $0x1;
	s4 =	smul.u32 $0x500, s4;
	s10 =	sshrl.u32 s7, $0x3  }
0x8: {  	s7 =	sadd.s32 s7, s8;
	s11 =	ssub.s32 s5, s11;
	s30 =	sshrl.u32 s29, $0x2  }
0x9: {  	s10 =	sadd.s32 s10, s6;
	s7 =	sshrl.u32 s7, $0x3;
	s13 =	sadd.s32 s30, s2  }
0xa: {  	s9 =	sadd.s32 s4, s6;
	s4 =	sadd.s32 $0x33400, s6;
	s12 =	sadd.s32 s7, s6  }
0xb: {  	s5 =	sadd.s32 $0xBC00, s10;
	s6 =	sor.u32 $0x1C01, s31;
	s10 =	sshrl.u32 s13, $0x3  }
0xc: {  	s13 =	simm.s32 $0x80;
	s7 =	sadd.s32 $0x1C00, s9;
	s8 =	sadd.s32 $0x33C00, s12  }
0xd: {  	s9 =	smax.u32 s11, $0x1;
	s11 =	simm.s32 $0x1;
	s12 =	simm.s32 $0x2800  }
.LBB2_1:
0xe: {  	[spmem:s10], [sflag:s6] =	dma.local [hbm:s5], $0x2780  }
0xf: {  	_ =	swait.ge [sflag:s11], $0x2780  }
0x10: {  	[sflag:s11] =	ssyncset.done $0x0  }
0x11: {  	[sflag:s11] =	ssyncadd.s32 $0xFFFFD880  }
0x12: {  	[tilespmem:s3], [sflag:$0x1] =	stream.linear.gather [hbm4b:s7+s3], $0x2780, $0x38;
	[tilespmem:$0x1A400] =	vst v63  }
0x13: {  	_ =	swait.ge [sflag:s11], $0x2780  }
0x14: {  	[sflag:s11] =	ssyncset.done $0x0  }
0x15: {  	[sflag:s11] =	ssyncadd.s32 $0xFFFFD880  }
0x16: {  	[tilespmem:s12], [sflag:$0x1] =	stream.linear.gather [hbm4b:s4+s3], $0x4000, $0x38;
	[tilespmem:$0x1A400] =	vst v63  }
0x17: {  	_ =	swait.ge [sflag:s11], $0x4000  }
0x18: {  	[sflag:s11] =	ssyncset.done $0x0  }
0x19: {  	[sflag:s11] =	ssyncadd.s32 $0xFFFFC000  }
0x1a: {  	s15 =	simm.s32 $0x0;
	[bflag:$0x0] =	sbarrier.arrive $0xFFFF  }
0x1b: {  	[spmem:s2] =	stream.indirect.scatter.add.f32 [tilespmem:s12], [sflag:$0x1], $0x80, s15, s13, $0xb8;
	[tilespmem:$0x1A400] =	vst v63  }
0x1c: {  	_ =	swait.ge [sflag:s11], $0x4000  }
0x1d: {  	s15 =	simm.s32 $0x200;
	[sflag:s11] =	ssyncset.done $0x0  }
.LBB2_2:
0x1e: {  	s16 =	sshra.s32 s15, $0x2;
	[sflag:s11] =	ssyncadd.s32 $0xFFFFC000;
	p0 =	sne.s32 s15, $0x9C00  }
0x1f: {  	[spmem:s2] =	stream.indirect.scatter.add.f32 [tilespmem:s12], [sflag:$0x1], $0x80, s16, s13, $0xb8;
	[tilespmem:$0x1A400] =	vst v63  }
.Ltmp0:
0x20: {  	_ = 	snop;
	(pc) =	sbr.rel @p0 .LBB2_2-.Ltmp0, $4  }
0x21: {  	_ = 	snop  }
0x22: {  	s15 =	sadd.s32 $0x200, s15  }
0x23: {  	_ =	swait.ge [sflag:s11], $0x4000  }
0x24: {  	[sflag:s11] =	ssyncset.done $0x0  }
0x25: {  	s14 =	sadd.s32 $0x1, s14  }
0x26: {  	[sflag:s11] =	ssyncadd.s32 $0xFFFFC000;
	p0 =	sne.s32 s14, s9  }
.Ltmp1:
0x27: {  	[bflag:$0x0] =	sbarrier.arrive $0xFFFF;
	(pc) =	sbr.rel @p0 .LBB2_1-.Ltmp1, $4  }
0x28: {  	[hbm:s8], [sflag:s6] =	dma.local [spmem:s10], $0x2780  }
0x29: {  	_ =	swait.ge [sflag:s11], $0x2780  }
0x2a: {  	[sflag:s11] =	ssyncset.done $0x0  }
0x2b: {  	[sflag:s11] =	ssyncadd.s32 $0xFFFFD880  }
0x2c: {  	_ =	sfence.sel $0x180000  }
0x2d: {  	[bflag:$0x0] =	sbarrier.arrive $0xFFFF  }
0x2e: {  	p0 =	sne.s32 s0, $0x0;
	_ =	strace $0x90000047  }
0x2f: {  	s0 =	sadd.s32 @!p0 $0x100000, s1;
	[bflag:$0x2] =	sbarrier.arrive $0xFFFF  }
0x30: {  	[sflag:s0] =	ssyncadd.tile.s32 @!p0 $0x1;
	_ =	shalt  }
.Lfunc_end2:
_tile_overlayer_lowered:
.L_overlay_start_2:
0x31: {  	(tag) =	ssettag $0x2  }
0x32: {  	s0 =	rddreg [dreg:$0x0];
	s2 =	stileid.u32  }
0x33: {  	s1 =	rddreg [dreg:$0x1];
	p0 =	sne.s32 s2, $0x0  }
0x34: {  	s3 =	rddreg [dreg:$0x2];
	[bflag:$0x3] =	sbarrier.arrive $0xFFFF;
	s2 =	simm.s32 @!p0 $0x1C01  }
0x35: {  	[timem:s3], [sflag:s2] =	dma.local @!p0 [hbm:s0], s1  }
0x36: {  	s0 =	simm.s32 @!p0 $0x1  }
0x37: {  	_ =	swait.ge @!p0 [sflag:s0], s1  }
0x38: {  	s1 =	ssub.s32 @!p0 $0x0, s1;
	[sflag:s0] =	ssyncset.done @!p0 $0x0  }
0x39: {  	[sflag:s0] =	ssyncadd.s32 @!p0 s1  }
0x3a: {  	[bflag:$0x3] =	sbarrier.arrive $0xFFFF  }
0x3b: {  	_ =	shalt  }

</sc_bundles>
